<compile_context>
chip_gen: v7x
topology: tpu7x:2x2x1
jax: 0.10.2.dev20260603
libtpu: 0.0.44.dev20260713+nightly
codegen_flags: <defaults>
</compile_context>

<pallas_src>
import functools

import jax
import jax.numpy as jnp
from jax import lax
from jax.experimental import pallas as pl
from jax.experimental.pallas import tpu as pltpu
from jax.experimental.pallas import tpu_sc as plsc

_N = 10000
_D = 128
_E = 320000
_NC, _NS = 2, 16
_NW = _NC * _NS
_K = 100
_NCHUNK = _E // _K
_CPW = _NCHUNK // _NW
_HALF = _CPW // 2
_CP = 80
_NCP = _N // _CP


def _sc_aggregate(x_src, src_idx, dst_idx):
    mesh = plsc.VectorSubcoreMesh(
        core_axis_name="c", subcore_axis_name="s", num_cores=_NC, num_subcores=_NS
    )

    @functools.partial(
        pl.kernel,
        mesh=mesh,
        out_type=jax.ShapeDtypeStruct((_NC, _N, _D), jnp.float32),
        scratch_types=[
            pltpu.VMEM((_HALF, _K), jnp.int32),
            pltpu.VMEM((_HALF, _K), jnp.int32),
            pltpu.VMEM((2, _K, _D), jnp.float32),
            pltpu.VMEM_SHARED((_N, _D), jnp.float32),
            pltpu.SemaphoreType.DMA,
            pltpu.SemaphoreType.DMA,
        ],
    )
    def agg(x_hbm, src_all_hbm, dst_all_hbm,
            o_hbm, src_v, dst_v, rows_v, acc_sh, sem0, sem1):
        cid = lax.axis_index("c")
        sid = lax.axis_index("s")
        wid = sid * _NC + cid
        sems = (sem0, sem1)
        with_tail = _NCP % _NS

        def _one_rel(xs_hbm, src_hbm, dst_hbm, out_hbm):
            def _zrow(i, carry):
                def _zcol(c, inner):
                    rows_v[0, i, pl.ds(c * 16, 16)] = jnp.zeros((16,), jnp.float32)
                    return inner
                return lax.fori_loop(0, _D // 16, _zcol, carry)
            lax.fori_loop(0, _CP, _zrow, 0)

            def _zchunk(z, carry):
                r = pl.multiple_of((z * _NS + sid) * _CP, _CP)
                pltpu.sync_copy(rows_v.at[0, pl.ds(0, _CP)], acc_sh.at[pl.ds(r, _CP)])
                return carry
            lax.fori_loop(0, _NCP // _NS, _zchunk, 0)
            if with_tail:
                @pl.when(sid < with_tail)
                def _():
                    r = pl.multiple_of(((_NCP // _NS) * _NS + sid) * _CP, _CP)
                    pltpu.sync_copy(rows_v.at[0, pl.ds(0, _CP)], acc_sh.at[pl.ds(r, _CP)])
            plsc.subcore_barrier()

            for h in range(2):
                pltpu.sync_copy(src_hbm.at[wid, h], src_v)
                pltpu.sync_copy(dst_hbm.at[wid, h], dst_v)
                for b in range(2):
                    pltpu.async_copy(xs_hbm.at[src_v.at[b]], rows_v.at[b], sems[b])

                def _body(jj, carry):
                    for b in range(2):
                        j = jj * 2 + b
                        pltpu.make_async_copy(xs_hbm.at[src_v.at[j]], rows_v.at[b],
                                              sems[b]).wait()
                        pltpu.sync_copy(rows_v.at[b], acc_sh.at[dst_v.at[j]],
                                        add=True)
                        @pl.when(j + 2 < _HALF)
                        def _():
                            pltpu.async_copy(xs_hbm.at[src_v.at[j + 2]],
                                             rows_v.at[b], sems[b])
                    return carry
                lax.fori_loop(0, _HALF // 2, _body, 0)
            plsc.subcore_barrier()

            @pl.when(sid == 0)
            def _():
                pltpu.sync_copy(acc_sh, out_hbm.at[cid])
            plsc.subcore_barrier()

        _one_rel(x_hbm, src_all_hbm, dst_all_hbm, o_hbm)

    return agg(x_src, src_idx, dst_idx)


def _gin_mlp(x_dst, parts, Wa, eps, W1, b1, W2, b2):
    R = 1000

    def body(eps_ref, x_ref, p0_ref, p1_ref, wa_ref, w1a_ref, w1b_ref, b1_ref,
             w2_ref, b2_ref, o_ref):
        mv = jnp.dot(p0_ref[...] + p1_ref[...], wa_ref[...],
                     preferred_element_type=jnp.float32)
        xx = (1.0 + eps_ref[0]) * x_ref[...]
        h = jnp.dot(xx, w1a_ref[...], preferred_element_type=jnp.float32)
        h = h + jnp.dot(mv, w1b_ref[...], preferred_element_type=jnp.float32)
        h = jnp.maximum(h + b1_ref[...], 0.0)
        o_ref[...] = (
            jnp.dot(h, w2_ref[...], preferred_element_type=jnp.float32) + b2_ref[...]
        )

    return pl.pallas_call(
        body,
        grid=(_N // R,),
        in_specs=[
            pl.BlockSpec(memory_space=pltpu.SMEM),
            pl.BlockSpec((R, _D), lambda i: (i, 0)),
            pl.BlockSpec((R, _D), lambda i: (i, 0)),
            pl.BlockSpec((R, _D), lambda i: (i, 0)),
            pl.BlockSpec((_D, _D), lambda i: (0, 0)),
            pl.BlockSpec((_D, _D), lambda i: (0, 0)),
            pl.BlockSpec((_D, _D), lambda i: (0, 0)),
            pl.BlockSpec((1, _D), lambda i: (0, 0)),
            pl.BlockSpec((_D, _D), lambda i: (0, 0)),
            pl.BlockSpec((1, _D), lambda i: (0, 0)),
        ],
        out_specs=pl.BlockSpec((R, _D), lambda i: (i, 0)),
        out_shape=jax.ShapeDtypeStruct((_N, _D), jnp.float32),
    )(
        eps.reshape(1),
        x_dst,
        parts[0],
        parts[1],
        Wa,
        W1[:_D],
        W1[_D:],
        b1.reshape(1, _D),
        W2,
        b2.reshape(1, _D),
    )


def kernel(x_user, x_item, edge_index_user_buys_item, edge_index_item_bought_by_user,
           Wa_user, ba_user, Wa_item, ba_item, eps_ub, eps_bu,
           W1_ub, b1_ub, W2_ub, b2_ub, W1_bu, b1_bu, W2_bu, b2_bu):
    src_ub = edge_index_user_buys_item[0].reshape(_NW, 2, _HALF, _K)
    dst_ub = edge_index_user_buys_item[1].reshape(_NW, 2, _HALF, _K)
    src_bu = edge_index_item_bought_by_user[0].reshape(_NW, 2, _HALF, _K)
    dst_bu = edge_index_item_bought_by_user[1].reshape(_NW, 2, _HALF, _K)

    mv_item = _sc_aggregate(x_user, src_ub, dst_ub)
    mv_user = _sc_aggregate(x_item, src_bu, dst_bu)

    out_item = _gin_mlp(x_item, mv_item, Wa_user, eps_ub, W1_ub, b1_ub, W2_ub, b2_ub)
    out_user = _gin_mlp(x_user, mv_user, Wa_item, eps_bu, W1_bu, b1_bu, W2_bu, b2_bu)
    return (out_user, out_item)

# --- scband reference (transcript-rebuilt; emitter-appended) ---
"""Pipeline reference for scband-hex-ginlayer-20590073217561 (READ-ONLY COPY).

The authoritative reference and input builder live on the scoring server;
editing this copy changes nothing except your own understanding.
"""

import jax, jax.numpy as jnp
import numpy as np

N_USER = 10000
N_ITEM = 10000
D = 128      # input feature dim for both node types
H = 128      # align_net output dim and subnet hidden/out dim
E = 320000   # edges per relation


def setup_inputs(seed: int = 0) -> dict:
    key = jax.random.key(seed)
    ks = jax.random.split(key, 20)
    x_user = jax.random.normal(ks[0], (N_USER, D), dtype=jnp.float32)
    x_item = jax.random.normal(ks[1], (N_ITEM, D), dtype=jnp.float32)
    # edge_index[0] = src node ids, edge_index[1] = dst node ids
    ei_ub = jax.random.randint(ks[2], (2, E), 0, N_USER, dtype=jnp.int32)  # (user, buys, item): src<N_USER, dst<N_ITEM (both 10000)
    ei_bu = jax.random.randint(ks[3], (2, E), 0, N_ITEM, dtype=jnp.int32)  # (item, bought_by, user)
    s = 0.05
    # align nets (one per src node type): Linear(D, H)
    Wa_user = jax.random.normal(ks[4], (D, H), dtype=jnp.float32) * s
    ba_user = jnp.zeros((H,), dtype=jnp.float32)
    Wa_item = jax.random.normal(ks[5], (D, H), dtype=jnp.float32) * s
    ba_item = jnp.zeros((H,), dtype=jnp.float32)
    # per-relation trainable eps (GINConv train_eps=True), init 0
    eps_ub = jnp.zeros((), dtype=jnp.float32)
    eps_bu = jnp.zeros((), dtype=jnp.float32)
    # per-relation subnet: Sequential(Linear(D+H, H), ReLU, Linear(H, H))
    W1_ub = jax.random.normal(ks[6], (D + H, H), dtype=jnp.float32) * s
    b1_ub = jnp.zeros((H,), dtype=jnp.float32)
    W2_ub = jax.random.normal(ks[7], (H, H), dtype=jnp.float32) * s
    b2_ub = jnp.zeros((H,), dtype=jnp.float32)
    W1_bu = jax.random.normal(ks[8], (D + H, H), dtype=jnp.float32) * s
    b1_bu = jnp.zeros((H,), dtype=jnp.float32)
    W2_bu = jax.random.normal(ks[9], (H, H), dtype=jnp.float32) * s
    b2_bu = jnp.zeros((H,), dtype=jnp.float32)
    return {
        "x_user": x_user, "x_item": x_item,
        "edge_index_user_buys_item": ei_ub,
        "edge_index_item_bought_by_user": ei_bu,
        "Wa_user": Wa_user, "ba_user": ba_user,
        "Wa_item": Wa_item, "ba_item": ba_item,
        "eps_ub": eps_ub, "eps_bu": eps_bu,
        "W1_ub": W1_ub, "b1_ub": b1_ub, "W2_ub": W2_ub, "b2_ub": b2_ub,
        "W1_bu": W1_bu, "b1_bu": b1_bu, "W2_bu": W2_bu, "b2_bu": b2_bu,
    }


def _hexgin_conv(x_src, x_dst, edge_index, Wa, ba, eps, W1, b1, W2, b2, n_dst):
    # align_net applied to source features only (x = (align_net(x[0]), x[1]))
    xs = x_src @ Wa + ba
    # propagate: gather aligned src feats along edges, sum-aggregate at dst
    msgs = jnp.take(xs, edge_index[0], axis=0)
    mv = jax.ops.segment_sum(msgs, edge_index[1], num_segments=n_dst)
    # concat (1+eps)*x_dst with aggregated messages, then subnet MLP
    h = jnp.concatenate([(1.0 + eps) * x_dst, mv], axis=1)
    return jax.nn.relu(h @ W1 + b1) @ W2 + b2


def reference(x_user, x_item, edge_index_user_buys_item, edge_index_item_bought_by_user,
              Wa_user, ba_user, Wa_item, ba_item, eps_ub, eps_bu,
              W1_ub, b1_ub, W2_ub, b2_ub, W1_bu, b1_bu, W2_bu, b2_bu):
    # relation (user, buys, item): target = item
    out_item = _hexgin_conv(x_user, x_item, edge_index_user_buys_item,
                            Wa_user, ba_user, eps_ub, W1_ub, b1_ub, W2_ub, b2_ub, N_ITEM)
    # relation (item, bought_by, user): target = user
    out_user = _hexgin_conv(x_item, x_user, edge_index_item_bought_by_user,
                            Wa_item, ba_item, eps_bu, W1_bu, b1_bu, W2_bu, b2_bu, N_USER)
    # HeteroConv aggr='sum': one relation per target type -> identity
    return (out_user, out_item)

if __name__ == "__main__":
    import jax
    _d = setup_inputs()
    print(jax.jit(kernel)(*tuple(_d.values())))

</pallas_src>

<mosaic_0001>
#map = affine_map<(d0, d1) -> (0, 0)>
#map1 = affine_map<(d0, d1) -> (0, 0, 0, 0)>
#map2 = affine_map<(d0, d1) -> (0, 0, 0)>
module attributes {stable_mosaic.version = 14 : i64} {
  func.func @agg(%arg0: i32, %arg1: i32, %arg2: memref<10000x128xf32, #tpu.memory_space<hbm>>, %arg3: memref<32x2x50x100xi32, #tpu.memory_space<hbm>>, %arg4: memref<32x2x50x100xi32, #tpu.memory_space<hbm>>, %arg5: memref<2x10000x128xf32, #tpu.memory_space<hbm>>, %arg6: memref<50x100xi32, #tpu.memory_space<vmem>>, %arg7: memref<50x100xi32, #tpu.memory_space<vmem>>, %arg8: memref<2x100x128xf32, #tpu.memory_space<vmem>>, %arg9: memref<10000x128xf32, #tpu.memory_space<vmem_shared>>, %arg10: memref<!tpu.dma_semaphore, #tpu.memory_space<semaphore_mem>>, %arg11: memref<!tpu.dma_semaphore, #tpu.memory_space<semaphore_mem>>) attributes {dimension_semantics = [#tpu.dimension_semantics<core_parallel>, #tpu.dimension_semantics<subcore_parallel>], iteration_bounds = array<i64: 2, 16>, scalar_prefetch = 0 : i64, scratch_operands = 6 : i64, tpu.core_type = #tpu.core_type<sc_vector_subcore>, window_params = [{transform_indices = #map}, {transform_indices = #map1}, {transform_indices = #map1}, {transform_indices = #map2}]} {
    %mul3A = arith.constant 2 : i32
    %mul3A_0 = arith.muli %arg1, %mul3A : i32
    %add3A = arith.addi %mul3A_0, %arg0 : i32
    %scan3A = arith.constant 0 : i32
    %scan3A_1 = arith.constant 0 : i32
    %scan3A_2 = arith.constant 80 : i32
    %scan3A_3 = arith.addi %scan3A_1, %scan3A_2 : i32
    %scan3A_4 = arith.constant 1 : i32
    scf.for %scan3A_82 = %scan3A_1 to %scan3A_3 step %scan3A_4  : i32 {
      %scan3A_83 = arith.constant 0 : i32
      %scan3A_84 = arith.constant 8 : i32
      %scan3A_85 = arith.addi %scan3A_83, %scan3A_84 : i32
      %scan3A_86 = arith.constant 1 : i32
      scf.for %scan3A_88 = %scan3A_83 to %scan3A_85 step %scan3A_86  : i32 {
        %broadcast_in_dim3A = arith.constant 0.000000e+00 : f32
        %broadcast_in_dim3A_89 = vector.broadcast %broadcast_in_dim3A : f32 to vector<16xf32>
        %mul3A_90 = arith.constant 16 : i32
        %mul3A_91 = arith.muli %scan3A_88, %mul3A_90 : i32
        %swap3A = arith.constant 0 : i32
        %swap3A_92 = arith.index_cast %swap3A : i32 to index
        %swap3A_93 = arith.index_cast %scan3A_82 : i32 to index
        %swap3A_94 = arith.index_cast %mul3A_91 : i32 to index
        %swap3A_95 = tpu.vector_load %arg8[%swap3A_92, %swap3A_93, %swap3A_94] {strides = array<i32>} : memref<2x100x128xf32, #tpu.memory_space<vmem>>, vector<1x1x16xf32>,
        %swap3A_96 = vector.shape_cast %swap3A_95 : vector<1x1x16xf32> to vector<16xf32>
        %swap3A_97 = vector.shape_cast %broadcast_in_dim3A_89 : vector<16xf32> to vector<1x1x16xf32>
        tpu.vector_store %arg8[%swap3A_92, %swap3A_93, %swap3A_94], %swap3A_97 {strides = array<i32>} : memref<2x100x128xf32, #tpu.memory_space<vmem>>, vector<1x1x16xf32>,
      }
      %scan3A_87 = arith.constant 8 : i32
    }
    %scan3A_5 = arith.constant 80 : i32
    %scan3A_6 = arith.constant 0 : i32
    %scan3A_7 = arith.constant 0 : i32
    %scan3A_8 = arith.constant 7 : i32
    %scan3A_9 = arith.addi %scan3A_7, %scan3A_8 : i32
    %scan3A_10 = arith.constant 1 : i32
    scf.for %scan3A_82 = %scan3A_7 to %scan3A_9 step %scan3A_10  : i32 {
      %mul3A_83 = arith.constant 16 : i32
      %mul3A_84 = arith.muli %scan3A_82, %mul3A_83 : i32
      %add3A_85 = arith.addi %mul3A_84, %arg1 : i32
      %mul3A_86 = arith.constant 80 : i32
      %mul3A_87 = arith.muli %add3A_85, %mul3A_86 : i32
      %multiple_of3A = tpu.assume_multiple %mul3A_87, 80 : i32
      %run_scoped3A_88 = arith.constant 0 : i32
      "tpu.region"() ({
        %run_scoped3A_89 = tpu.sem_alloc : memref<!tpu.dma_semaphore, #tpu.memory_space<semaphore_mem>>
        %dma_start3A_90 = arith.constant 0 : i32
        %dma_start3A_91 = arith.constant 0 : i32
        %dma_start3A_92 = tpu.memref_slice %arg8[%run_scoped3A_88, %dma_start3A_90, %dma_start3A_91] : memref<2x100x128xf32, #tpu.memory_space<vmem>> -> memref<1x80x128xf32, #tpu.memory_space<vmem>>
        %dma_start3A_93 = tpu.memref_squeeze %dma_start3A_92 : memref<1x80x128xf32, #tpu.memory_space<vmem>> -> memref<80x128xf32, #tpu.memory_space<vmem>>
        %dma_start3A_94 = arith.constant 0 : i32
        %dma_start3A_95 = tpu.memref_slice %arg9[%multiple_of3A, %dma_start3A_94] : memref<10000x128xf32, #tpu.memory_space<vmem_shared>> -> memref<80x128xf32, #tpu.memory_space<vmem_shared>>
        %dma_start3A_96 = arith.constant 0 : i32
        %dma_start3A_97 = tpu.memref_slice %arg9[%multiple_of3A, %dma_start3A_96] : memref<10000x128xf32, #tpu.memory_space<vmem_shared>> -> memref<80x128xf32, #tpu.memory_space<vmem_shared>>
        %dma_start3A_98 = arith.constant 0 : i32
        %dma_start3A_99 = arith.constant 0 : i32
        %dma_start3A_100 = tpu.memref_slice %arg8[%run_scoped3A_88, %dma_start3A_98, %dma_start3A_99] : memref<2x100x128xf32, #tpu.memory_space<vmem>> -> memref<1x80x128xf32, #tpu.memory_space<vmem>>
        %dma_start3A_101 = tpu.memref_squeeze %dma_start3A_100 : memref<1x80x128xf32, #tpu.memory_space<vmem>> -> memref<80x128xf32, #tpu.memory_space<vmem>>
        tpu.enqueue_dma source(%dma_start3A_101 : memref<80x128xf32, #tpu.memory_space<vmem>>) target(%dma_start3A_97 : memref<80x128xf32, #tpu.memory_space<vmem_shared>>) target_semaphore(%run_scoped3A_89 : memref<!tpu.dma_semaphore, #tpu.memory_space<semaphore_mem>>)
        %dma_wait3A = arith.constant 0 : i32
        %dma_wait3A_102 = arith.constant 0 : i32
        %dma_wait3A_103 = tpu.memref_slice %arg8[%run_scoped3A_88, %dma_wait3A, %dma_wait3A_102] : memref<2x100x128xf32, #tpu.memory_space<vmem>> -> memref<1x80x128xf32, #tpu.memory_space<vmem>>
        %dma_wait3A_104 = tpu.memref_squeeze %dma_wait3A_103 : memref<1x80x128xf32, #tpu.memory_space<vmem>> -> memref<80x128xf32, #tpu.memory_space<vmem>>
        %dma_wait3A_105 = arith.constant 0 : i32
        %dma_wait3A_106 = tpu.memref_slice %arg9[%multiple_of3A, %dma_wait3A_105] : memref<10000x128xf32, #tpu.memory_space<vmem_shared>> -> memref<80x128xf32, #tpu.memory_space<vmem_shared>>
        %dma_wait3A_107 = arith.constant 0 : i32
        %dma_wait3A_108 = tpu.memref_slice %arg9[%multiple_of3A, %dma_wait3A_107] : memref<10000x128xf32, #tpu.memory_space<vmem_shared>> -> memref<80x128xf32, #tpu.memory_space<vmem_shared>>
        %dma_wait3A_109 = arith.constant 0 : i32
        %dma_wait3A_110 = arith.constant 0 : i32
        %dma_wait3A_111 = tpu.memref_slice %arg8[%run_scoped3A_88, %dma_wait3A_109, %dma_wait3A_110] : memref<2x100x128xf32, #tpu.memory_space<vmem>> -> memref<1x80x128xf32, #tpu.memory_space<vmem>>
        %dma_wait3A_112 = tpu.memref_squeeze %dma_wait3A_111 : memref<1x80x128xf32, #tpu.memory_space<vmem>> -> memref<80x128xf32, #tpu.memory_space<vmem>>
        tpu.wait_dma2 semaphore(%run_scoped3A_89 : memref<!tpu.dma_semaphore, #tpu.memory_space<semaphore_mem>>) src(%dma_wait3A_112 : memref<80x128xf32, #tpu.memory_space<vmem>>) dst(%dma_wait3A_108 : memref<80x128xf32, #tpu.memory_space<vmem_shared>>)
        tpu.yield
      }) : () -> ()
    }
    %scan3A_11 = arith.constant 7 : i32
    %lt3A = arith.constant 13 : i32
    %lt3A_12 = arith.cmpi slt, %arg1, %lt3A : i32
    %convert_element_type3A = arith.extui %lt3A_12 : i1 to i32
    %cond3A = arith.constant 0 : i32
    %cond3A_13 = arith.cmpi ne, %convert_element_type3A, %cond3A : i32
    scf.if %cond3A_13 {
      %add3A_82 = arith.constant 112 : i32
      %add3A_83 = arith.addi %add3A_82, %arg1 : i32
      %mul3A_84 = arith.constant 80 : i32
      %mul3A_85 = arith.muli %add3A_83, %mul3A_84 : i32
      %multiple_of3A = tpu.assume_multiple %mul3A_85, 80 : i32
      %run_scoped3A_86 = arith.constant 0 : i32
      "tpu.region"() ({
        %run_scoped3A_87 = tpu.sem_alloc : memref<!tpu.dma_semaphore, #tpu.memory_space<semaphore_mem>>
        %dma_start3A_88 = arith.constant 0 : i32
        %dma_start3A_89 = arith.constant 0 : i32
        %dma_start3A_90 = tpu.memref_slice %arg8[%run_scoped3A_86, %dma_start3A_88, %dma_start3A_89] : memref<2x100x128xf32, #tpu.memory_space<vmem>> -> memref<1x80x128xf32, #tpu.memory_space<vmem>>
        %dma_start3A_91 = tpu.memref_squeeze %dma_start3A_90 : memref<1x80x128xf32, #tpu.memory_space<vmem>> -> memref<80x128xf32, #tpu.memory_space<vmem>>
        %dma_start3A_92 = arith.constant 0 : i32
        %dma_start3A_93 = tpu.memref_slice %arg9[%multiple_of3A, %dma_start3A_92] : memref<10000x128xf32, #tpu.memory_space<vmem_shared>> -> memref<80x128xf32, #tpu.memory_space<vmem_shared>>
        %dma_start3A_94 = arith.constant 0 : i32
        %dma_start3A_95 = tpu.memref_slice %arg9[%multiple_of3A, %dma_start3A_94] : memref<10000x128xf32, #tpu.memory_space<vmem_shared>> -> memref<80x128xf32, #tpu.memory_space<vmem_shared>>
        %dma_start3A_96 = arith.constant 0 : i32
        %dma_start3A_97 = arith.constant 0 : i32
        %dma_start3A_98 = tpu.memref_slice %arg8[%run_scoped3A_86, %dma_start3A_96, %dma_start3A_97] : memref<2x100x128xf32, #tpu.memory_space<vmem>> -> memref<1x80x128xf32, #tpu.memory_space<vmem>>
        %dma_start3A_99 = tpu.memref_squeeze %dma_start3A_98 : memref<1x80x128xf32, #tpu.memory_space<vmem>> -> memref<80x128xf32, #tpu.memory_space<vmem>>
        tpu.enqueue_dma source(%dma_start3A_99 : memref<80x128xf32, #tpu.memory_space<vmem>>) target(%dma_start3A_95 : memref<80x128xf32, #tpu.memory_space<vmem_shared>>) target_semaphore(%run_scoped3A_87 : memref<!tpu.dma_semaphore, #tpu.memory_space<semaphore_mem>>)
        %dma_wait3A = arith.constant 0 : i32
        %dma_wait3A_100 = arith.constant 0 : i32
        %dma_wait3A_101 = tpu.memref_slice %arg8[%run_scoped3A_86, %dma_wait3A, %dma_wait3A_100] : memref<2x100x128xf32, #tpu.memory_space<vmem>> -> memref<1x80x128xf32, #tpu.memory_space<vmem>>
        %dma_wait3A_102 = tpu.memref_squeeze %dma_wait3A_101 : memref<1x80x128xf32, #tpu.memory_space<vmem>> -> memref<80x128xf32, #tpu.memory_space<vmem>>
        %dma_wait3A_103 = arith.constant 0 : i32
        %dma_wait3A_104 = tpu.memref_slice %arg9[%multiple_of3A, %dma_wait3A_103] : memref<10000x128xf32, #tpu.memory_space<vmem_shared>> -> memref<80x128xf32, #tpu.memory_space<vmem_shared>>
        %dma_wait3A_105 = arith.constant 0 : i32
        %dma_wait3A_106 = tpu.memref_slice %arg9[%multiple_of3A, %dma_wait3A_105] : memref<10000x128xf32, #tpu.memory_space<vmem_shared>> -> memref<80x128xf32, #tpu.memory_space<vmem_shared>>
        %dma_wait3A_107 = arith.constant 0 : i32
        %dma_wait3A_108 = arith.constant 0 : i32
        %dma_wait3A_109 = tpu.memref_slice %arg8[%run_scoped3A_86, %dma_wait3A_107, %dma_wait3A_108] : memref<2x100x128xf32, #tpu.memory_space<vmem>> -> memref<1x80x128xf32, #tpu.memory_space<vmem>>
        %dma_wait3A_110 = tpu.memref_squeeze %dma_wait3A_109 : memref<1x80x128xf32, #tpu.memory_space<vmem>> -> memref<80x128xf32, #tpu.memory_space<vmem>>
        tpu.wait_dma2 semaphore(%run_scoped3A_87 : memref<!tpu.dma_semaphore, #tpu.memory_space<semaphore_mem>>) src(%dma_wait3A_110 : memref<80x128xf32, #tpu.memory_space<vmem>>) dst(%dma_wait3A_106 : memref<80x128xf32, #tpu.memory_space<vmem_shared>>)
        tpu.yield
      }) : () -> ()
    } else {
    }
    %barrier3A = arith.constant 0 : index
    tpu.barrier barrier_id(%barrier3A)
    %run_scoped3A = arith.constant 0 : i32
    "tpu.region"() ({
      %run_scoped3A_82 = tpu.sem_alloc : memref<!tpu.dma_semaphore, #tpu.memory_space<semaphore_mem>>
      %dma_start3A_83 = arith.constant 0 : i32
      %dma_start3A_84 = arith.constant 0 : i32
      %dma_start3A_85 = tpu.memref_slice %arg3[%add3A, %run_scoped3A, %dma_start3A_83, %dma_start3A_84] : memref<32x2x50x100xi32, #tpu.memory_space<hbm>> -> memref<1x1x50x100xi32, #tpu.memory_space<hbm>>
      %dma_start3A_86 = tpu.memref_squeeze %dma_start3A_85 : memref<1x1x50x100xi32, #tpu.memory_space<hbm>> -> memref<50x100xi32, #tpu.memory_space<hbm>>
      %dma_start3A_87 = arith.constant 0 : i32
      %dma_start3A_88 = arith.constant 0 : i32
      %dma_start3A_89 = tpu.memref_slice %arg3[%add3A, %run_scoped3A, %dma_start3A_87, %dma_start3A_88] : memref<32x2x50x100xi32, #tpu.memory_space<hbm>> -> memref<1x1x50x100xi32, #tpu.memory_space<hbm>>
      %dma_start3A_90 = tpu.memref_squeeze %dma_start3A_89 : memref<1x1x50x100xi32, #tpu.memory_space<hbm>> -> memref<50x100xi32, #tpu.memory_space<hbm>>
      tpu.enqueue_dma source(%dma_start3A_90 : memref<50x100xi32, #tpu.memory_space<hbm>>) target(%arg6 : memref<50x100xi32, #tpu.memory_space<vmem>>) target_semaphore(%run_scoped3A_82 : memref<!tpu.dma_semaphore, #tpu.memory_space<semaphore_mem>>)
      %dma_wait3A = arith.constant 0 : i32
      %dma_wait3A_91 = arith.constant 0 : i32
      %dma_wait3A_92 = tpu.memref_slice %arg3[%add3A, %run_scoped3A, %dma_wait3A, %dma_wait3A_91] : memref<32x2x50x100xi32, #tpu.memory_space<hbm>> -> memref<1x1x50x100xi32, #tpu.memory_space<hbm>>
      %dma_wait3A_93 = tpu.memref_squeeze %dma_wait3A_92 : memref<1x1x50x100xi32, #tpu.memory_space<hbm>> -> memref<50x100xi32, #tpu.memory_space<hbm>>
      %dma_wait3A_94 = arith.constant 0 : i32
      %dma_wait3A_95 = arith.constant 0 : i32
      %dma_wait3A_96 = tpu.memref_slice %arg3[%add3A, %run_scoped3A, %dma_wait3A_94, %dma_wait3A_95] : memref<32x2x50x100xi32, #tpu.memory_space<hbm>> -> memref<1x1x50x100xi32, #tpu.memory_space<hbm>>
      %dma_wait3A_97 = tpu.memref_squeeze %dma_wait3A_96 : memref<1x1x50x100xi32, #tpu.memory_space<hbm>> -> memref<50x100xi32, #tpu.memory_space<hbm>>
      tpu.wait_dma2 semaphore(%run_scoped3A_82 : memref<!tpu.dma_semaphore, #tpu.memory_space<semaphore_mem>>) src(%dma_wait3A_97 : memref<50x100xi32, #tpu.memory_space<hbm>>) dst(%arg6 : memref<50x100xi32, #tpu.memory_space<vmem>>)
      tpu.yield
    }) : () -> ()
    %run_scoped3A_14 = arith.constant 0 : i32
    "tpu.region"() ({
      %run_scoped3A_82 = tpu.sem_alloc : memref<!tpu.dma_semaphore, #tpu.memory_space<semaphore_mem>>
      %dma_start3A_83 = arith.constant 0 : i32
      %dma_start3A_84 = arith.constant 0 : i32
      %dma_start3A_85 = tpu.memref_slice %arg4[%add3A, %run_scoped3A_14, %dma_start3A_83, %dma_start3A_84] : memref<32x2x50x100xi32, #tpu.memory_space<hbm>> -> memref<1x1x50x100xi32, #tpu.memory_space<hbm>>
      %dma_start3A_86 = tpu.memref_squeeze %dma_start3A_85 : memref<1x1x50x100xi32, #tpu.memory_space<hbm>> -> memref<50x100xi32, #tpu.memory_space<hbm>>
      %dma_start3A_87 = arith.constant 0 : i32
      %dma_start3A_88 = arith.constant 0 : i32
      %dma_start3A_89 = tpu.memref_slice %arg4[%add3A, %run_scoped3A_14, %dma_start3A_87, %dma_start3A_88] : memref<32x2x50x100xi32, #tpu.memory_space<hbm>> -> memref<1x1x50x100xi32, #tpu.memory_space<hbm>>
      %dma_start3A_90 = tpu.memref_squeeze %dma_start3A_89 : memref<1x1x50x100xi32, #tpu.memory_space<hbm>> -> memref<50x100xi32, #tpu.memory_space<hbm>>
      tpu.enqueue_dma source(%dma_start3A_90 : memref<50x100xi32, #tpu.memory_space<hbm>>) target(%arg7 : memref<50x100xi32, #tpu.memory_space<vmem>>) target_semaphore(%run_scoped3A_82 : memref<!tpu.dma_semaphore, #tpu.memory_space<semaphore_mem>>)
      %dma_wait3A = arith.constant 0 : i32
      %dma_wait3A_91 = arith.constant 0 : i32
      %dma_wait3A_92 = tpu.memref_slice %arg4[%add3A, %run_scoped3A_14, %dma_wait3A, %dma_wait3A_91] : memref<32x2x50x100xi32, #tpu.memory_space<hbm>> -> memref<1x1x50x100xi32, #tpu.memory_space<hbm>>
      %dma_wait3A_93 = tpu.memref_squeeze %dma_wait3A_92 : memref<1x1x50x100xi32, #tpu.memory_space<hbm>> -> memref<50x100xi32, #tpu.memory_space<hbm>>
      %dma_wait3A_94 = arith.constant 0 : i32
      %dma_wait3A_95 = arith.constant 0 : i32
      %dma_wait3A_96 = tpu.memref_slice %arg4[%add3A, %run_scoped3A_14, %dma_wait3A_94, %dma_wait3A_95] : memref<32x2x50x100xi32, #tpu.memory_space<hbm>> -> memref<1x1x50x100xi32, #tpu.memory_space<hbm>>
      %dma_wait3A_97 = tpu.memref_squeeze %dma_wait3A_96 : memref<1x1x50x100xi32, #tpu.memory_space<hbm>> -> memref<50x100xi32, #tpu.memory_space<hbm>>
      tpu.wait_dma2 semaphore(%run_scoped3A_82 : memref<!tpu.dma_semaphore, #tpu.memory_space<semaphore_mem>>) src(%dma_wait3A_97 : memref<50x100xi32, #tpu.memory_space<hbm>>) dst(%arg7 : memref<50x100xi32, #tpu.memory_space<vmem>>)
      tpu.yield
    }) : () -> ()
    %dma_start3A = arith.constant 0 : i32
    %dma_start3A_15 = arith.constant 0 : i32
    %dma_start3A_16 = arith.constant 0 : i32
    %dma_start3A_17 = arith.constant 0 : i32
    %dma_start3A_18 = tpu.memref_slice %arg8[%dma_start3A_15, %dma_start3A_16, %dma_start3A_17] : memref<2x100x128xf32, #tpu.memory_space<vmem>> -> memref<1x100x128xf32, #tpu.memory_space<vmem>>
    %dma_start3A_19 = tpu.memref_squeeze %dma_start3A_18 : memref<1x100x128xf32, #tpu.memory_space<vmem>> -> memref<100x128xf32, #tpu.memory_space<vmem>>
    %dma_start3A_20 = arith.constant 0 : i32
    %dma_start3A_21 = tpu.memref_slice %arg6[%dma_start3A, %dma_start3A_20] : memref<50x100xi32, #tpu.memory_space<vmem>> -> memref<1x100xi32, #tpu.memory_space<vmem>>
    %dma_start3A_22 = tpu.memref_squeeze %dma_start3A_21 : memref<1x100xi32, #tpu.memory_space<vmem>> -> memref<100xi32, #tpu.memory_space<vmem>>
    %dma_start3A_23 = arith.constant 0 : i32
    %dma_start3A_24 = arith.constant 0 : i32
    %dma_start3A_25 = tpu.memref_slice %arg2[%dma_start3A_23, %dma_start3A_24] : memref<10000x128xf32, #tpu.memory_space<hbm>> -> memref<10000x128xf32, #tpu.memory_space<hbm>>
    tpu.enqueue_indirect_dma source(%dma_start3A_25 : memref<10000x128xf32, #tpu.memory_space<hbm>>) target(%dma_start3A_19 : memref<100x128xf32, #tpu.memory_space<vmem>>) offsets(%dma_start3A_22 : memref<100xi32, #tpu.memory_space<vmem>>) semaphore(%arg10 : memref<!tpu.dma_semaphore, #tpu.memory_space<semaphore_mem>>)
    %dma_start3A_26 = arith.constant 1 : i32
    %dma_start3A_27 = arith.constant 1 : i32
    %dma_start3A_28 = arith.constant 0 : i32
    %dma_start3A_29 = arith.constant 0 : i32
    %dma_start3A_30 = tpu.memref_slice %arg8[%dma_start3A_27, %dma_start3A_28, %dma_start3A_29] : memref<2x100x128xf32, #tpu.memory_space<vmem>> -> memref<1x100x128xf32, #tpu.memory_space<vmem>>
    %dma_start3A_31 = tpu.memref_squeeze %dma_start3A_30 : memref<1x100x128xf32, #tpu.memory_space<vmem>> -> memref<100x128xf32, #tpu.memory_space<vmem>>
    %dma_start3A_32 = arith.constant 0 : i32
    %dma_start3A_33 = tpu.memref_slice %arg6[%dma_start3A_26, %dma_start3A_32] : memref<50x100xi32, #tpu.memory_space<vmem>> -> memref<1x100xi32, #tpu.memory_space<vmem>>
    %dma_start3A_34 = tpu.memref_squeeze %dma_start3A_33 : memref<1x100xi32, #tpu.memory_space<vmem>> -> memref<100xi32, #tpu.memory_space<vmem>>
    %dma_start3A_35 = arith.constant 0 : i32
    %dma_start3A_36 = arith.constant 0 : i32
    %dma_start3A_37 = tpu.memref_slice %arg2[%dma_start3A_35, %dma_start3A_36] : memref<10000x128xf32, #tpu.memory_space<hbm>> -> memref<10000x128xf32, #tpu.memory_space<hbm>>
    tpu.enqueue_indirect_dma source(%dma_start3A_37 : memref<10000x128xf32, #tpu.memory_space<hbm>>) target(%dma_start3A_31 : memref<100x128xf32, #tpu.memory_space<vmem>>) offsets(%dma_start3A_34 : memref<100xi32, #tpu.memory_space<vmem>>) semaphore(%arg11 : memref<!tpu.dma_semaphore, #tpu.memory_space<semaphore_mem>>)
    %scan3A_38 = arith.constant 0 : i32
    %scan3A_39 = arith.constant 0 : i32
    %scan3A_40 = arith.constant 25 : i32
    %scan3A_41 = arith.addi %scan3A_39, %scan3A_40 : i32
    %scan3A_42 = arith.constant 1 : i32
    scf.for %scan3A_82 = %scan3A_39 to %scan3A_41 step %scan3A_42  : i32 {
      %mul3A_83 = arith.constant 2 : i32
      %mul3A_84 = arith.muli %scan3A_82, %mul3A_83 : i32
      %add3A_85 = arith.constant 0 : i32
      %add3A_86 = arith.addi %mul3A_84, %add3A_85 : i32
      %dma_wait3A = arith.constant 0 : i32
      %dma_wait3A_87 = arith.constant 0 : i32
      %dma_wait3A_88 = arith.constant 0 : i32
      %dma_wait3A_89 = tpu.memref_slice %arg8[%dma_wait3A, %dma_wait3A_87, %dma_wait3A_88] : memref<2x100x128xf32, #tpu.memory_space<vmem>> -> memref<1x100x128xf32, #tpu.memory_space<vmem>>
      %dma_wait3A_90 = tpu.memref_squeeze %dma_wait3A_89 : memref<1x100x128xf32, #tpu.memory_space<vmem>> -> memref<100x128xf32, #tpu.memory_space<vmem>>
      %dma_wait3A_91 = arith.constant 0 : i32
      %dma_wait3A_92 = tpu.memref_slice %arg6[%add3A_86, %dma_wait3A_91] : memref<50x100xi32, #tpu.memory_space<vmem>> -> memref<1x100xi32, #tpu.memory_space<vmem>>
      %dma_wait3A_93 = tpu.memref_squeeze %dma_wait3A_92 : memref<1x100xi32, #tpu.memory_space<vmem>> -> memref<100xi32, #tpu.memory_space<vmem>>
      %dma_wait3A_94 = arith.constant 0 : i32
      %dma_wait3A_95 = arith.constant 0 : i32
      %dma_wait3A_96 = tpu.memref_slice %arg2[%dma_wait3A_94, %dma_wait3A_95] : memref<10000x128xf32, #tpu.memory_space<hbm>> -> memref<10000x128xf32, #tpu.memory_space<hbm>>
      tpu.wait_indirect_dma semaphore(%arg10 : memref<!tpu.dma_semaphore, #tpu.memory_space<semaphore_mem>>) src(%dma_wait3A_96 : memref<10000x128xf32, #tpu.memory_space<hbm>>) dst(%dma_wait3A_90 : memref<100x128xf32, #tpu.memory_space<vmem>>)
      %run_scoped3A_97 = arith.constant 0 : i32
      "tpu.region"() ({
        %run_scoped3A_128 = tpu.sem_alloc : memref<!tpu.dma_semaphore, #tpu.memory_space<semaphore_mem>>
        %dma_start3A_129 = arith.constant 0 : i32
        %dma_start3A_130 = arith.constant 0 : i32
        %dma_start3A_131 = tpu.memref_slice %arg8[%run_scoped3A_97, %dma_start3A_129, %dma_start3A_130] : memref<2x100x128xf32, #tpu.memory_space<vmem>> -> memref<1x100x128xf32, #tpu.memory_space<vmem>>
        %dma_start3A_132 = tpu.memref_squeeze %dma_start3A_131 : memref<1x100x128xf32, #tpu.memory_space<vmem>> -> memref<100x128xf32, #tpu.memory_space<vmem>>
        %dma_start3A_133 = arith.constant 0 : i32
        %dma_start3A_134 = tpu.memref_slice %arg7[%add3A_86, %dma_start3A_133] : memref<50x100xi32, #tpu.memory_space<vmem>> -> memref<1x100xi32, #tpu.memory_space<vmem>>
        %dma_start3A_135 = tpu.memref_squeeze %dma_start3A_134 : memref<1x100xi32, #tpu.memory_space<vmem>> -> memref<100xi32, #tpu.memory_space<vmem>>
        %dma_start3A_136 = arith.constant 0 : i32
        %dma_start3A_137 = arith.constant 0 : i32
        %dma_start3A_138 = tpu.memref_slice %arg9[%dma_start3A_136, %dma_start3A_137] : memref<10000x128xf32, #tpu.memory_space<vmem_shared>> -> memref<10000x128xf32, #tpu.memory_space<vmem_shared>>
        tpu.enqueue_indirect_dma source(%dma_start3A_132 : memref<100x128xf32, #tpu.memory_space<vmem>>) target(%dma_start3A_138 : memref<10000x128xf32, #tpu.memory_space<vmem_shared>>) offsets(%dma_start3A_135 : memref<100xi32, #tpu.memory_space<vmem>>) semaphore(%run_scoped3A_128 : memref<!tpu.dma_semaphore, #tpu.memory_space<semaphore_mem>>) {add = true}
        %dma_wait3A_139 = arith.constant 0 : i32
        %dma_wait3A_140 = arith.constant 0 : i32
        %dma_wait3A_141 = tpu.memref_slice %arg8[%run_scoped3A_97, %dma_wait3A_139, %dma_wait3A_140] : memref<2x100x128xf32, #tpu.memory_space<vmem>> -> memref<1x100x128xf32, #tpu.memory_space<vmem>>
        %dma_wait3A_142 = tpu.memref_squeeze %dma_wait3A_141 : memref<1x100x128xf32, #tpu.memory_space<vmem>> -> memref<100x128xf32, #tpu.memory_space<vmem>>
        %dma_wait3A_143 = arith.constant 0 : i32
        %dma_wait3A_144 = tpu.memref_slice %arg7[%add3A_86, %dma_wait3A_143] : memref<50x100xi32, #tpu.memory_space<vmem>> -> memref<1x100xi32, #tpu.memory_space<vmem>>
        %dma_wait3A_145 = tpu.memref_squeeze %dma_wait3A_144 : memref<1x100xi32, #tpu.memory_space<vmem>> -> memref<100xi32, #tpu.memory_space<vmem>>
        %dma_wait3A_146 = arith.constant 0 : i32
        %dma_wait3A_147 = arith.constant 0 : i32
        %dma_wait3A_148 = tpu.memref_slice %arg9[%dma_wait3A_146, %dma_wait3A_147] : memref<10000x128xf32, #tpu.memory_space<vmem_shared>> -> memref<10000x128xf32, #tpu.memory_space<vmem_shared>>
        tpu.wait_indirect_dma semaphore(%run_scoped3A_128 : memref<!tpu.dma_semaphore, #tpu.memory_space<semaphore_mem>>) src(%dma_wait3A_142 : memref<100x128xf32, #tpu.memory_space<vmem>>) dst(%dma_wait3A_148 : memref<10000x128xf32, #tpu.memory_space<vmem_shared>>)
        tpu.yield
      }) : () -> ()
      %add3A_98 = arith.constant 2 : i32
      %add3A_99 = arith.addi %add3A_86, %add3A_98 : i32
      %lt3A_100 = arith.constant 50 : i32
      %lt3A_101 = arith.cmpi slt, %add3A_99, %lt3A_100 : i32
      %convert_element_type3A_102 = arith.extui %lt3A_101 : i1 to i32
      %cond3A_103 = arith.constant 0 : i32
      %cond3A_104 = arith.cmpi ne, %convert_element_type3A_102, %cond3A_103 : i32
      scf.if %cond3A_104 {
        %add3A_128 = arith.constant 2 : i32
        %add3A_129 = arith.addi %add3A_86, %add3A_128 : i32
        %dma_start3A_130 = arith.constant 0 : i32
        %dma_start3A_131 = arith.constant 0 : i32
        %dma_start3A_132 = arith.constant 0 : i32
        %dma_start3A_133 = tpu.memref_slice %arg8[%dma_start3A_130, %dma_start3A_131, %dma_start3A_132] : memref<2x100x128xf32, #tpu.memory_space<vmem>> -> memref<1x100x128xf32, #tpu.memory_space<vmem>>
        %dma_start3A_134 = tpu.memref_squeeze %dma_start3A_133 : memref<1x100x128xf32, #tpu.memory_space<vmem>> -> memref<100x128xf32, #tpu.memory_space<vmem>>
        %dma_start3A_135 = arith.constant 0 : i32
        %dma_start3A_136 = tpu.memref_slice %arg6[%add3A_129, %dma_start3A_135] : memref<50x100xi32, #tpu.memory_space<vmem>> -> memref<1x100xi32, #tpu.memory_space<vmem>>
        %dma_start3A_137 = tpu.memref_squeeze %dma_start3A_136 : memref<1x100xi32, #tpu.memory_space<vmem>> -> memref<100xi32, #tpu.memory_space<vmem>>
        %dma_start3A_138 = arith.constant 0 : i32
        %dma_start3A_139 = arith.constant 0 : i32
        %dma_start3A_140 = tpu.memref_slice %arg2[%dma_start3A_138, %dma_start3A_139] : memref<10000x128xf32, #tpu.memory_space<hbm>> -> memref<10000x128xf32, #tpu.memory_space<hbm>>
        tpu.enqueue_indirect_dma source(%dma_start3A_140 : memref<10000x128xf32, #tpu.memory_space<hbm>>) target(%dma_start3A_134 : memref<100x128xf32, #tpu.memory_space<vmem>>) offsets(%dma_start3A_137 : memref<100xi32, #tpu.memory_space<vmem>>) semaphore(%arg10 : memref<!tpu.dma_semaphore, #tpu.memory_space<semaphore_mem>>)
      } else {
      }
      %mul3A_105 = arith.constant 2 : i32
      %mul3A_106 = arith.muli %scan3A_82, %mul3A_105 : i32
      %add3A_107 = arith.constant 1 : i32
      %add3A_108 = arith.addi %mul3A_106, %add3A_107 : i32
      %dma_wait3A_109 = arith.constant 1 : i32
      %dma_wait3A_110 = arith.constant 0 : i32
      %dma_wait3A_111 = arith.constant 0 : i32
      %dma_wait3A_112 = tpu.memref_slice %arg8[%dma_wait3A_109, %dma_wait3A_110, %dma_wait3A_111] : memref<2x100x128xf32, #tpu.memory_space<vmem>> -> memref<1x100x128xf32, #tpu.memory_space<vmem>>
      %dma_wait3A_113 = tpu.memref_squeeze %dma_wait3A_112 : memref<1x100x128xf32, #tpu.memory_space<vmem>> -> memref<100x128xf32, #tpu.memory_space<vmem>>
      %dma_wait3A_114 = arith.constant 0 : i32
      %dma_wait3A_115 = tpu.memref_slice %arg6[%add3A_108, %dma_wait3A_114] : memref<50x100xi32, #tpu.memory_space<vmem>> -> memref<1x100xi32, #tpu.memory_space<vmem>>
      %dma_wait3A_116 = tpu.memref_squeeze %dma_wait3A_115 : memref<1x100xi32, #tpu.memory_space<vmem>> -> memref<100xi32, #tpu.memory_space<vmem>>
      %dma_wait3A_117 = arith.constant 0 : i32
      %dma_wait3A_118 = arith.constant 0 : i32
      %dma_wait3A_119 = tpu.memref_slice %arg2[%dma_wait3A_117, %dma_wait3A_118] : memref<10000x128xf32, #tpu.memory_space<hbm>> -> memref<10000x128xf32, #tpu.memory_space<hbm>>
      tpu.wait_indirect_dma semaphore(%arg11 : memref<!tpu.dma_semaphore, #tpu.memory_space<semaphore_mem>>) src(%dma_wait3A_119 : memref<10000x128xf32, #tpu.memory_space<hbm>>) dst(%dma_wait3A_113 : memref<100x128xf32, #tpu.memory_space<vmem>>)
      %run_scoped3A_120 = arith.constant 1 : i32
      "tpu.region"() ({
        %run_scoped3A_128 = tpu.sem_alloc : memref<!tpu.dma_semaphore, #tpu.memory_space<semaphore_mem>>
        %dma_start3A_129 = arith.constant 0 : i32
        %dma_start3A_130 = arith.constant 0 : i32
        %dma_start3A_131 = tpu.memref_slice %arg8[%run_scoped3A_120, %dma_start3A_129, %dma_start3A_130] : memref<2x100x128xf32, #tpu.memory_space<vmem>> -> memref<1x100x128xf32, #tpu.memory_space<vmem>>
        %dma_start3A_132 = tpu.memref_squeeze %dma_start3A_131 : memref<1x100x128xf32, #tpu.memory_space<vmem>> -> memref<100x128xf32, #tpu.memory_space<vmem>>
        %dma_start3A_133 = arith.constant 0 : i32
        %dma_start3A_134 = tpu.memref_slice %arg7[%add3A_108, %dma_start3A_133] : memref<50x100xi32, #tpu.memory_space<vmem>> -> memref<1x100xi32, #tpu.memory_space<vmem>>
        %dma_start3A_135 = tpu.memref_squeeze %dma_start3A_134 : memref<1x100xi32, #tpu.memory_space<vmem>> -> memref<100xi32, #tpu.memory_space<vmem>>
        %dma_start3A_136 = arith.constant 0 : i32
        %dma_start3A_137 = arith.constant 0 : i32
        %dma_start3A_138 = tpu.memref_slice %arg9[%dma_start3A_136, %dma_start3A_137] : memref<10000x128xf32, #tpu.memory_space<vmem_shared>> -> memref<10000x128xf32, #tpu.memory_space<vmem_shared>>
        tpu.enqueue_indirect_dma source(%dma_start3A_132 : memref<100x128xf32, #tpu.memory_space<vmem>>) target(%dma_start3A_138 : memref<10000x128xf32, #tpu.memory_space<vmem_shared>>) offsets(%dma_start3A_135 : memref<100xi32, #tpu.memory_space<vmem>>) semaphore(%run_scoped3A_128 : memref<!tpu.dma_semaphore, #tpu.memory_space<semaphore_mem>>) {add = true}
        %dma_wait3A_139 = arith.constant 0 : i32
        %dma_wait3A_140 = arith.constant 0 : i32
        %dma_wait3A_141 = tpu.memref_slice %arg8[%run_scoped3A_120, %dma_wait3A_139, %dma_wait3A_140] : memref<2x100x128xf32, #tpu.memory_space<vmem>> -> memref<1x100x128xf32, #tpu.memory_space<vmem>>
        %dma_wait3A_142 = tpu.memref_squeeze %dma_wait3A_141 : memref<1x100x128xf32, #tpu.memory_space<vmem>> -> memref<100x128xf32, #tpu.memory_space<vmem>>
        %dma_wait3A_143 = arith.constant 0 : i32
        %dma_wait3A_144 = tpu.memref_slice %arg7[%add3A_108, %dma_wait3A_143] : memref<50x100xi32, #tpu.memory_space<vmem>> -> memref<1x100xi32, #tpu.memory_space<vmem>>
        %dma_wait3A_145 = tpu.memref_squeeze %dma_wait3A_144 : memref<1x100xi32, #tpu.memory_space<vmem>> -> memref<100xi32, #tpu.memory_space<vmem>>
        %dma_wait3A_146 = arith.constant 0 : i32
        %dma_wait3A_147 = arith.constant 0 : i32
        %dma_wait3A_148 = tpu.memref_slice %arg9[%dma_wait3A_146, %dma_wait3A_147] : memref<10000x128xf32, #tpu.memory_space<vmem_shared>> -> memref<10000x128xf32, #tpu.memory_space<vmem_shared>>
        tpu.wait_indirect_dma semaphore(%run_scoped3A_128 : memref<!tpu.dma_semaphore, #tpu.memory_space<semaphore_mem>>) src(%dma_wait3A_142 : memref<100x128xf32, #tpu.memory_space<vmem>>) dst(%dma_wait3A_148 : memref<10000x128xf32, #tpu.memory_space<vmem_shared>>)
        tpu.yield
      }) : () -> ()
      %add3A_121 = arith.constant 2 : i32
      %add3A_122 = arith.addi %add3A_108, %add3A_121 : i32
      %lt3A_123 = arith.constant 50 : i32
      %lt3A_124 = arith.cmpi slt, %add3A_122, %lt3A_123 : i32
      %convert_element_type3A_125 = arith.extui %lt3A_124 : i1 to i32
      %cond3A_126 = arith.constant 0 : i32
      %cond3A_127 = arith.cmpi ne, %convert_element_type3A_125, %cond3A_126 : i32
      scf.if %cond3A_127 {
        %add3A_128 = arith.constant 2 : i32
        %add3A_129 = arith.addi %add3A_108, %add3A_128 : i32
        %dma_start3A_130 = arith.constant 1 : i32
        %dma_start3A_131 = arith.constant 0 : i32
        %dma_start3A_132 = arith.constant 0 : i32
        %dma_start3A_133 = tpu.memref_slice %arg8[%dma_start3A_130, %dma_start3A_131, %dma_start3A_132] : memref<2x100x128xf32, #tpu.memory_space<vmem>> -> memref<1x100x128xf32, #tpu.memory_space<vmem>>
        %dma_start3A_134 = tpu.memref_squeeze %dma_start3A_133 : memref<1x100x128xf32, #tpu.memory_space<vmem>> -> memref<100x128xf32, #tpu.memory_space<vmem>>
        %dma_start3A_135 = arith.constant 0 : i32
        %dma_start3A_136 = tpu.memref_slice %arg6[%add3A_129, %dma_start3A_135] : memref<50x100xi32, #tpu.memory_space<vmem>> -> memref<1x100xi32, #tpu.memory_space<vmem>>
        %dma_start3A_137 = tpu.memref_squeeze %dma_start3A_136 : memref<1x100xi32, #tpu.memory_space<vmem>> -> memref<100xi32, #tpu.memory_space<vmem>>
        %dma_start3A_138 = arith.constant 0 : i32
        %dma_start3A_139 = arith.constant 0 : i32
        %dma_start3A_140 = tpu.memref_slice %arg2[%dma_start3A_138, %dma_start3A_139] : memref<10000x128xf32, #tpu.memory_space<hbm>> -> memref<10000x128xf32, #tpu.memory_space<hbm>>
        tpu.enqueue_indirect_dma source(%dma_start3A_140 : memref<10000x128xf32, #tpu.memory_space<hbm>>) target(%dma_start3A_134 : memref<100x128xf32, #tpu.memory_space<vmem>>) offsets(%dma_start3A_137 : memref<100xi32, #tpu.memory_space<vmem>>) semaphore(%arg11 : memref<!tpu.dma_semaphore, #tpu.memory_space<semaphore_mem>>)
      } else {
      }
    }
    %scan3A_43 = arith.constant 25 : i32
    %run_scoped3A_44 = arith.constant 1 : i32
    "tpu.region"() ({
      %run_scoped3A_82 = tpu.sem_alloc : memref<!tpu.dma_semaphore, #tpu.memory_space<semaphore_mem>>
      %dma_start3A_83 = arith.constant 0 : i32
      %dma_start3A_84 = arith.constant 0 : i32
      %dma_start3A_85 = tpu.memref_slice %arg3[%add3A, %run_scoped3A_44, %dma_start3A_83, %dma_start3A_84] : memref<32x2x50x100xi32, #tpu.memory_space<hbm>> -> memref<1x1x50x100xi32, #tpu.memory_space<hbm>>
      %dma_start3A_86 = tpu.memref_squeeze %dma_start3A_85 : memref<1x1x50x100xi32, #tpu.memory_space<hbm>> -> memref<50x100xi32, #tpu.memory_space<hbm>>
      %dma_start3A_87 = arith.constant 0 : i32
      %dma_start3A_88 = arith.constant 0 : i32
      %dma_start3A_89 = tpu.memref_slice %arg3[%add3A, %run_scoped3A_44, %dma_start3A_87, %dma_start3A_88] : memref<32x2x50x100xi32, #tpu.memory_space<hbm>> -> memref<1x1x50x100xi32, #tpu.memory_space<hbm>>
      %dma_start3A_90 = tpu.memref_squeeze %dma_start3A_89 : memref<1x1x50x100xi32, #tpu.memory_space<hbm>> -> memref<50x100xi32, #tpu.memory_space<hbm>>
      tpu.enqueue_dma source(%dma_start3A_90 : memref<50x100xi32, #tpu.memory_space<hbm>>) target(%arg6 : memref<50x100xi32, #tpu.memory_space<vmem>>) target_semaphore(%run_scoped3A_82 : memref<!tpu.dma_semaphore, #tpu.memory_space<semaphore_mem>>)
      %dma_wait3A = arith.constant 0 : i32
      %dma_wait3A_91 = arith.constant 0 : i32
      %dma_wait3A_92 = tpu.memref_slice %arg3[%add3A, %run_scoped3A_44, %dma_wait3A, %dma_wait3A_91] : memref<32x2x50x100xi32, #tpu.memory_space<hbm>> -> memref<1x1x50x100xi32, #tpu.memory_space<hbm>>
      %dma_wait3A_93 = tpu.memref_squeeze %dma_wait3A_92 : memref<1x1x50x100xi32, #tpu.memory_space<hbm>> -> memref<50x100xi32, #tpu.memory_space<hbm>>
      %dma_wait3A_94 = arith.constant 0 : i32
      %dma_wait3A_95 = arith.constant 0 : i32
      %dma_wait3A_96 = tpu.memref_slice %arg3[%add3A, %run_scoped3A_44, %dma_wait3A_94, %dma_wait3A_95] : memref<32x2x50x100xi32, #tpu.memory_space<hbm>> -> memref<1x1x50x100xi32, #tpu.memory_space<hbm>>
      %dma_wait3A_97 = tpu.memref_squeeze %dma_wait3A_96 : memref<1x1x50x100xi32, #tpu.memory_space<hbm>> -> memref<50x100xi32, #tpu.memory_space<hbm>>
      tpu.wait_dma2 semaphore(%run_scoped3A_82 : memref<!tpu.dma_semaphore, #tpu.memory_space<semaphore_mem>>) src(%dma_wait3A_97 : memref<50x100xi32, #tpu.memory_space<hbm>>) dst(%arg6 : memref<50x100xi32, #tpu.memory_space<vmem>>)
      tpu.yield
    }) : () -> ()
    %run_scoped3A_45 = arith.constant 1 : i32
    "tpu.region"() ({
      %run_scoped3A_82 = tpu.sem_alloc : memref<!tpu.dma_semaphore, #tpu.memory_space<semaphore_mem>>
      %dma_start3A_83 = arith.constant 0 : i32
      %dma_start3A_84 = arith.constant 0 : i32
      %dma_start3A_85 = tpu.memref_slice %arg4[%add3A, %run_scoped3A_45, %dma_start3A_83, %dma_start3A_84] : memref<32x2x50x100xi32, #tpu.memory_space<hbm>> -> memref<1x1x50x100xi32, #tpu.memory_space<hbm>>
      %dma_start3A_86 = tpu.memref_squeeze %dma_start3A_85 : memref<1x1x50x100xi32, #tpu.memory_space<hbm>> -> memref<50x100xi32, #tpu.memory_space<hbm>>
      %dma_start3A_87 = arith.constant 0 : i32
      %dma_start3A_88 = arith.constant 0 : i32
      %dma_start3A_89 = tpu.memref_slice %arg4[%add3A, %run_scoped3A_45, %dma_start3A_87, %dma_start3A_88] : memref<32x2x50x100xi32, #tpu.memory_space<hbm>> -> memref<1x1x50x100xi32, #tpu.memory_space<hbm>>
      %dma_start3A_90 = tpu.memref_squeeze %dma_start3A_89 : memref<1x1x50x100xi32, #tpu.memory_space<hbm>> -> memref<50x100xi32, #tpu.memory_space<hbm>>
      tpu.enqueue_dma source(%dma_start3A_90 : memref<50x100xi32, #tpu.memory_space<hbm>>) target(%arg7 : memref<50x100xi32, #tpu.memory_space<vmem>>) target_semaphore(%run_scoped3A_82 : memref<!tpu.dma_semaphore, #tpu.memory_space<semaphore_mem>>)
      %dma_wait3A = arith.constant 0 : i32
      %dma_wait3A_91 = arith.constant 0 : i32
      %dma_wait3A_92 = tpu.memref_slice %arg4[%add3A, %run_scoped3A_45, %dma_wait3A, %dma_wait3A_91] : memref<32x2x50x100xi32, #tpu.memory_space<hbm>> -> memref<1x1x50x100xi32, #tpu.memory_space<hbm>>
      %dma_wait3A_93 = tpu.memref_squeeze %dma_wait3A_92 : memref<1x1x50x100xi32, #tpu.memory_space<hbm>> -> memref<50x100xi32, #tpu.memory_space<hbm>>
      %dma_wait3A_94 = arith.constant 0 : i32
      %dma_wait3A_95 = arith.constant 0 : i32
      %dma_wait3A_96 = tpu.memref_slice %arg4[%add3A, %run_scoped3A_45, %dma_wait3A_94, %dma_wait3A_95] : memref<32x2x50x100xi32, #tpu.memory_space<hbm>> -> memref<1x1x50x100xi32, #tpu.memory_space<hbm>>
      %dma_wait3A_97 = tpu.memref_squeeze %dma_wait3A_96 : memref<1x1x50x100xi32, #tpu.memory_space<hbm>> -> memref<50x100xi32, #tpu.memory_space<hbm>>
      tpu.wait_dma2 semaphore(%run_scoped3A_82 : memref<!tpu.dma_semaphore, #tpu.memory_space<semaphore_mem>>) src(%dma_wait3A_97 : memref<50x100xi32, #tpu.memory_space<hbm>>) dst(%arg7 : memref<50x100xi32, #tpu.memory_space<vmem>>)
      tpu.yield
    }) : () -> ()
    %dma_start3A_46 = arith.constant 0 : i32
    %dma_start3A_47 = arith.constant 0 : i32
    %dma_start3A_48 = arith.constant 0 : i32
    %dma_start3A_49 = arith.constant 0 : i32
    %dma_start3A_50 = tpu.memref_slice %arg8[%dma_start3A_47, %dma_start3A_48, %dma_start3A_49] : memref<2x100x128xf32, #tpu.memory_space<vmem>> -> memref<1x100x128xf32, #tpu.memory_space<vmem>>
    %dma_start3A_51 = tpu.memref_squeeze %dma_start3A_50 : memref<1x100x128xf32, #tpu.memory_space<vmem>> -> memref<100x128xf32, #tpu.memory_space<vmem>>
    %dma_start3A_52 = arith.constant 0 : i32
    %dma_start3A_53 = tpu.memref_slice %arg6[%dma_start3A_46, %dma_start3A_52] : memref<50x100xi32, #tpu.memory_space<vmem>> -> memref<1x100xi32, #tpu.memory_space<vmem>>
    %dma_start3A_54 = tpu.memref_squeeze %dma_start3A_53 : memref<1x100xi32, #tpu.memory_space<vmem>> -> memref<100xi32, #tpu.memory_space<vmem>>
    %dma_start3A_55 = arith.constant 0 : i32
    %dma_start3A_56 = arith.constant 0 : i32
    %dma_start3A_57 = tpu.memref_slice %arg2[%dma_start3A_55, %dma_start3A_56] : memref<10000x128xf32, #tpu.memory_space<hbm>> -> memref<10000x128xf32, #tpu.memory_space<hbm>>
    tpu.enqueue_indirect_dma source(%dma_start3A_57 : memref<10000x128xf32, #tpu.memory_space<hbm>>) target(%dma_start3A_51 : memref<100x128xf32, #tpu.memory_space<vmem>>) offsets(%dma_start3A_54 : memref<100xi32, #tpu.memory_space<vmem>>) semaphore(%arg10 : memref<!tpu.dma_semaphore, #tpu.memory_space<semaphore_mem>>)
    %dma_start3A_58 = arith.constant 1 : i32
    %dma_start3A_59 = arith.constant 1 : i32
    %dma_start3A_60 = arith.constant 0 : i32
    %dma_start3A_61 = arith.constant 0 : i32
    %dma_start3A_62 = tpu.memref_slice %arg8[%dma_start3A_59, %dma_start3A_60, %dma_start3A_61] : memref<2x100x128xf32, #tpu.memory_space<vmem>> -> memref<1x100x128xf32, #tpu.memory_space<vmem>>
    %dma_start3A_63 = tpu.memref_squeeze %dma_start3A_62 : memref<1x100x128xf32, #tpu.memory_space<vmem>> -> memref<100x128xf32, #tpu.memory_space<vmem>>
    %dma_start3A_64 = arith.constant 0 : i32
    %dma_start3A_65 = tpu.memref_slice %arg6[%dma_start3A_58, %dma_start3A_64] : memref<50x100xi32, #tpu.memory_space<vmem>> -> memref<1x100xi32, #tpu.memory_space<vmem>>
    %dma_start3A_66 = tpu.memref_squeeze %dma_start3A_65 : memref<1x100xi32, #tpu.memory_space<vmem>> -> memref<100xi32, #tpu.memory_space<vmem>>
    %dma_start3A_67 = arith.constant 0 : i32
    %dma_start3A_68 = arith.constant 0 : i32
    %dma_start3A_69 = tpu.memref_slice %arg2[%dma_start3A_67, %dma_start3A_68] : memref<10000x128xf32, #tpu.memory_space<hbm>> -> memref<10000x128xf32, #tpu.memory_space<hbm>>
    tpu.enqueue_indirect_dma source(%dma_start3A_69 : memref<10000x128xf32, #tpu.memory_space<hbm>>) target(%dma_start3A_63 : memref<100x128xf32, #tpu.memory_space<vmem>>) offsets(%dma_start3A_66 : memref<100xi32, #tpu.memory_space<vmem>>) semaphore(%arg11 : memref<!tpu.dma_semaphore, #tpu.memory_space<semaphore_mem>>)
    %scan3A_70 = arith.constant 0 : i32
    %scan3A_71 = arith.constant 0 : i32
    %scan3A_72 = arith.constant 25 : i32
    %scan3A_73 = arith.addi %scan3A_71, %scan3A_72 : i32
    %scan3A_74 = arith.constant 1 : i32
    scf.for %scan3A_82 = %scan3A_71 to %scan3A_73 step %scan3A_74  : i32 {
      %mul3A_83 = arith.constant 2 : i32
      %mul3A_84 = arith.muli %scan3A_82, %mul3A_83 : i32
      %add3A_85 = arith.constant 0 : i32
      %add3A_86 = arith.addi %mul3A_84, %add3A_85 : i32
      %dma_wait3A = arith.constant 0 : i32
      %dma_wait3A_87 = arith.constant 0 : i32
      %dma_wait3A_88 = arith.constant 0 : i32
      %dma_wait3A_89 = tpu.memref_slice %arg8[%dma_wait3A, %dma_wait3A_87, %dma_wait3A_88] : memref<2x100x128xf32, #tpu.memory_space<vmem>> -> memref<1x100x128xf32, #tpu.memory_space<vmem>>
      %dma_wait3A_90 = tpu.memref_squeeze %dma_wait3A_89 : memref<1x100x128xf32, #tpu.memory_space<vmem>> -> memref<100x128xf32, #tpu.memory_space<vmem>>
      %dma_wait3A_91 = arith.constant 0 : i32
      %dma_wait3A_92 = tpu.memref_slice %arg6[%add3A_86, %dma_wait3A_91] : memref<50x100xi32, #tpu.memory_space<vmem>> -> memref<1x100xi32, #tpu.memory_space<vmem>>
      %dma_wait3A_93 = tpu.memref_squeeze %dma_wait3A_92 : memref<1x100xi32, #tpu.memory_space<vmem>> -> memref<100xi32, #tpu.memory_space<vmem>>
      %dma_wait3A_94 = arith.constant 0 : i32
      %dma_wait3A_95 = arith.constant 0 : i32
      %dma_wait3A_96 = tpu.memref_slice %arg2[%dma_wait3A_94, %dma_wait3A_95] : memref<10000x128xf32, #tpu.memory_space<hbm>> -> memref<10000x128xf32, #tpu.memory_space<hbm>>
      tpu.wait_indirect_dma semaphore(%arg10 : memref<!tpu.dma_semaphore, #tpu.memory_space<semaphore_mem>>) src(%dma_wait3A_96 : memref<10000x128xf32, #tpu.memory_space<hbm>>) dst(%dma_wait3A_90 : memref<100x128xf32, #tpu.memory_space<vmem>>)
      %run_scoped3A_97 = arith.constant 0 : i32
      "tpu.region"() ({
        %run_scoped3A_128 = tpu.sem_alloc : memref<!tpu.dma_semaphore, #tpu.memory_space<semaphore_mem>>
        %dma_start3A_129 = arith.constant 0 : i32
        %dma_start3A_130 = arith.constant 0 : i32
        %dma_start3A_131 = tpu.memref_slice %arg8[%run_scoped3A_97, %dma_start3A_129, %dma_start3A_130] : memref<2x100x128xf32, #tpu.memory_space<vmem>> -> memref<1x100x128xf32, #tpu.memory_space<vmem>>
        %dma_start3A_132 = tpu.memref_squeeze %dma_start3A_131 : memref<1x100x128xf32, #tpu.memory_space<vmem>> -> memref<100x128xf32, #tpu.memory_space<vmem>>
        %dma_start3A_133 = arith.constant 0 : i32
        %dma_start3A_134 = tpu.memref_slice %arg7[%add3A_86, %dma_start3A_133] : memref<50x100xi32, #tpu.memory_space<vmem>> -> memref<1x100xi32, #tpu.memory_space<vmem>>
        %dma_start3A_135 = tpu.memref_squeeze %dma_start3A_134 : memref<1x100xi32, #tpu.memory_space<vmem>> -> memref<100xi32, #tpu.memory_space<vmem>>
        %dma_start3A_136 = arith.constant 0 : i32
        %dma_start3A_137 = arith.constant 0 : i32
        %dma_start3A_138 = tpu.memref_slice %arg9[%dma_start3A_136, %dma_start3A_137] : memref<10000x128xf32, #tpu.memory_space<vmem_shared>> -> memref<10000x128xf32, #tpu.memory_space<vmem_shared>>
        tpu.enqueue_indirect_dma source(%dma_start3A_132 : memref<100x128xf32, #tpu.memory_space<vmem>>) target(%dma_start3A_138 : memref<10000x128xf32, #tpu.memory_space<vmem_shared>>) offsets(%dma_start3A_135 : memref<100xi32, #tpu.memory_space<vmem>>) semaphore(%run_scoped3A_128 : memref<!tpu.dma_semaphore, #tpu.memory_space<semaphore_mem>>) {add = true}
        %dma_wait3A_139 = arith.constant 0 : i32
        %dma_wait3A_140 = arith.constant 0 : i32
        %dma_wait3A_141 = tpu.memref_slice %arg8[%run_scoped3A_97, %dma_wait3A_139, %dma_wait3A_140] : memref<2x100x128xf32, #tpu.memory_space<vmem>> -> memref<1x100x128xf32, #tpu.memory_space<vmem>>
        %dma_wait3A_142 = tpu.memref_squeeze %dma_wait3A_141 : memref<1x100x128xf32, #tpu.memory_space<vmem>> -> memref<100x128xf32, #tpu.memory_space<vmem>>
        %dma_wait3A_143 = arith.constant 0 : i32
        %dma_wait3A_144 = tpu.memref_slice %arg7[%add3A_86, %dma_wait3A_143] : memref<50x100xi32, #tpu.memory_space<vmem>> -> memref<1x100xi32, #tpu.memory_space<vmem>>
        %dma_wait3A_145 = tpu.memref_squeeze %dma_wait3A_144 : memref<1x100xi32, #tpu.memory_space<vmem>> -> memref<100xi32, #tpu.memory_space<vmem>>
        %dma_wait3A_146 = arith.constant 0 : i32
        %dma_wait3A_147 = arith.constant 0 : i32
        %dma_wait3A_148 = tpu.memref_slice %arg9[%dma_wait3A_146, %dma_wait3A_147] : memref<10000x128xf32, #tpu.memory_space<vmem_shared>> -> memref<10000x128xf32, #tpu.memory_space<vmem_shared>>
        tpu.wait_indirect_dma semaphore(%run_scoped3A_128 : memref<!tpu.dma_semaphore, #tpu.memory_space<semaphore_mem>>) src(%dma_wait3A_142 : memref<100x128xf32, #tpu.memory_space<vmem>>) dst(%dma_wait3A_148 : memref<10000x128xf32, #tpu.memory_space<vmem_shared>>)
        tpu.yield
      }) : () -> ()
      %add3A_98 = arith.constant 2 : i32
      %add3A_99 = arith.addi %add3A_86, %add3A_98 : i32
      %lt3A_100 = arith.constant 50 : i32
      %lt3A_101 = arith.cmpi slt, %add3A_99, %lt3A_100 : i32
      %convert_element_type3A_102 = arith.extui %lt3A_101 : i1 to i32
      %cond3A_103 = arith.constant 0 : i32
      %cond3A_104 = arith.cmpi ne, %convert_element_type3A_102, %cond3A_103 : i32
      scf.if %cond3A_104 {
        %add3A_128 = arith.constant 2 : i32
        %add3A_129 = arith.addi %add3A_86, %add3A_128 : i32
        %dma_start3A_130 = arith.constant 0 : i32
        %dma_start3A_131 = arith.constant 0 : i32
        %dma_start3A_132 = arith.constant 0 : i32
        %dma_start3A_133 = tpu.memref_slice %arg8[%dma_start3A_130, %dma_start3A_131, %dma_start3A_132] : memref<2x100x128xf32, #tpu.memory_space<vmem>> -> memref<1x100x128xf32, #tpu.memory_space<vmem>>
        %dma_start3A_134 = tpu.memref_squeeze %dma_start3A_133 : memref<1x100x128xf32, #tpu.memory_space<vmem>> -> memref<100x128xf32, #tpu.memory_space<vmem>>
        %dma_start3A_135 = arith.constant 0 : i32
        %dma_start3A_136 = tpu.memref_slice %arg6[%add3A_129, %dma_start3A_135] : memref<50x100xi32, #tpu.memory_space<vmem>> -> memref<1x100xi32, #tpu.memory_space<vmem>>
        %dma_start3A_137 = tpu.memref_squeeze %dma_start3A_136 : memref<1x100xi32, #tpu.memory_space<vmem>> -> memref<100xi32, #tpu.memory_space<vmem>>
        %dma_start3A_138 = arith.constant 0 : i32
        %dma_start3A_139 = arith.constant 0 : i32
        %dma_start3A_140 = tpu.memref_slice %arg2[%dma_start3A_138, %dma_start3A_139] : memref<10000x128xf32, #tpu.memory_space<hbm>> -> memref<10000x128xf32, #tpu.memory_space<hbm>>
        tpu.enqueue_indirect_dma source(%dma_start3A_140 : memref<10000x128xf32, #tpu.memory_space<hbm>>) target(%dma_start3A_134 : memref<100x128xf32, #tpu.memory_space<vmem>>) offsets(%dma_start3A_137 : memref<100xi32, #tpu.memory_space<vmem>>) semaphore(%arg10 : memref<!tpu.dma_semaphore, #tpu.memory_space<semaphore_mem>>)
      } else {
      }
      %mul3A_105 = arith.constant 2 : i32
      %mul3A_106 = arith.muli %scan3A_82, %mul3A_105 : i32
      %add3A_107 = arith.constant 1 : i32
      %add3A_108 = arith.addi %mul3A_106, %add3A_107 : i32
      %dma_wait3A_109 = arith.constant 1 : i32
      %dma_wait3A_110 = arith.constant 0 : i32
      %dma_wait3A_111 = arith.constant 0 : i32
      %dma_wait3A_112 = tpu.memref_slice %arg8[%dma_wait3A_109, %dma_wait3A_110, %dma_wait3A_111] : memref<2x100x128xf32, #tpu.memory_space<vmem>> -> memref<1x100x128xf32, #tpu.memory_space<vmem>>
      %dma_wait3A_113 = tpu.memref_squeeze %dma_wait3A_112 : memref<1x100x128xf32, #tpu.memory_space<vmem>> -> memref<100x128xf32, #tpu.memory_space<vmem>>
      %dma_wait3A_114 = arith.constant 0 : i32
      %dma_wait3A_115 = tpu.memref_slice %arg6[%add3A_108, %dma_wait3A_114] : memref<50x100xi32, #tpu.memory_space<vmem>> -> memref<1x100xi32, #tpu.memory_space<vmem>>
      %dma_wait3A_116 = tpu.memref_squeeze %dma_wait3A_115 : memref<1x100xi32, #tpu.memory_space<vmem>> -> memref<100xi32, #tpu.memory_space<vmem>>
      %dma_wait3A_117 = arith.constant 0 : i32
      %dma_wait3A_118 = arith.constant 0 : i32
      %dma_wait3A_119 = tpu.memref_slice %arg2[%dma_wait3A_117, %dma_wait3A_118] : memref<10000x128xf32, #tpu.memory_space<hbm>> -> memref<10000x128xf32, #tpu.memory_space<hbm>>
      tpu.wait_indirect_dma semaphore(%arg11 : memref<!tpu.dma_semaphore, #tpu.memory_space<semaphore_mem>>) src(%dma_wait3A_119 : memref<10000x128xf32, #tpu.memory_space<hbm>>) dst(%dma_wait3A_113 : memref<100x128xf32, #tpu.memory_space<vmem>>)
      %run_scoped3A_120 = arith.constant 1 : i32
      "tpu.region"() ({
        %run_scoped3A_128 = tpu.sem_alloc : memref<!tpu.dma_semaphore, #tpu.memory_space<semaphore_mem>>
        %dma_start3A_129 = arith.constant 0 : i32
        %dma_start3A_130 = arith.constant 0 : i32
        %dma_start3A_131 = tpu.memref_slice %arg8[%run_scoped3A_120, %dma_start3A_129, %dma_start3A_130] : memref<2x100x128xf32, #tpu.memory_space<vmem>> -> memref<1x100x128xf32, #tpu.memory_space<vmem>>
        %dma_start3A_132 = tpu.memref_squeeze %dma_start3A_131 : memref<1x100x128xf32, #tpu.memory_space<vmem>> -> memref<100x128xf32, #tpu.memory_space<vmem>>
        %dma_start3A_133 = arith.constant 0 : i32
        %dma_start3A_134 = tpu.memref_slice %arg7[%add3A_108, %dma_start3A_133] : memref<50x100xi32, #tpu.memory_space<vmem>> -> memref<1x100xi32, #tpu.memory_space<vmem>>
        %dma_start3A_135 = tpu.memref_squeeze %dma_start3A_134 : memref<1x100xi32, #tpu.memory_space<vmem>> -> memref<100xi32, #tpu.memory_space<vmem>>
        %dma_start3A_136 = arith.constant 0 : i32
        %dma_start3A_137 = arith.constant 0 : i32
        %dma_start3A_138 = tpu.memref_slice %arg9[%dma_start3A_136, %dma_start3A_137] : memref<10000x128xf32, #tpu.memory_space<vmem_shared>> -> memref<10000x128xf32, #tpu.memory_space<vmem_shared>>
        tpu.enqueue_indirect_dma source(%dma_start3A_132 : memref<100x128xf32, #tpu.memory_space<vmem>>) target(%dma_start3A_138 : memref<10000x128xf32, #tpu.memory_space<vmem_shared>>) offsets(%dma_start3A_135 : memref<100xi32, #tpu.memory_space<vmem>>) semaphore(%run_scoped3A_128 : memref<!tpu.dma_semaphore, #tpu.memory_space<semaphore_mem>>) {add = true}
        %dma_wait3A_139 = arith.constant 0 : i32
        %dma_wait3A_140 = arith.constant 0 : i32
        %dma_wait3A_141 = tpu.memref_slice %arg8[%run_scoped3A_120, %dma_wait3A_139, %dma_wait3A_140] : memref<2x100x128xf32, #tpu.memory_space<vmem>> -> memref<1x100x128xf32, #tpu.memory_space<vmem>>
        %dma_wait3A_142 = tpu.memref_squeeze %dma_wait3A_141 : memref<1x100x128xf32, #tpu.memory_space<vmem>> -> memref<100x128xf32, #tpu.memory_space<vmem>>
        %dma_wait3A_143 = arith.constant 0 : i32
        %dma_wait3A_144 = tpu.memref_slice %arg7[%add3A_108, %dma_wait3A_143] : memref<50x100xi32, #tpu.memory_space<vmem>> -> memref<1x100xi32, #tpu.memory_space<vmem>>
        %dma_wait3A_145 = tpu.memref_squeeze %dma_wait3A_144 : memref<1x100xi32, #tpu.memory_space<vmem>> -> memref<100xi32, #tpu.memory_space<vmem>>
        %dma_wait3A_146 = arith.constant 0 : i32
        %dma_wait3A_147 = arith.constant 0 : i32
        %dma_wait3A_148 = tpu.memref_slice %arg9[%dma_wait3A_146, %dma_wait3A_147] : memref<10000x128xf32, #tpu.memory_space<vmem_shared>> -> memref<10000x128xf32, #tpu.memory_space<vmem_shared>>
        tpu.wait_indirect_dma semaphore(%run_scoped3A_128 : memref<!tpu.dma_semaphore, #tpu.memory_space<semaphore_mem>>) src(%dma_wait3A_142 : memref<100x128xf32, #tpu.memory_space<vmem>>) dst(%dma_wait3A_148 : memref<10000x128xf32, #tpu.memory_space<vmem_shared>>)
        tpu.yield
      }) : () -> ()
      %add3A_121 = arith.constant 2 : i32
      %add3A_122 = arith.addi %add3A_108, %add3A_121 : i32
      %lt3A_123 = arith.constant 50 : i32
      %lt3A_124 = arith.cmpi slt, %add3A_122, %lt3A_123 : i32
      %convert_element_type3A_125 = arith.extui %lt3A_124 : i1 to i32
      %cond3A_126 = arith.constant 0 : i32
      %cond3A_127 = arith.cmpi ne, %convert_element_type3A_125, %cond3A_126 : i32
      scf.if %cond3A_127 {
        %add3A_128 = arith.constant 2 : i32
        %add3A_129 = arith.addi %add3A_108, %add3A_128 : i32
        %dma_start3A_130 = arith.constant 1 : i32
        %dma_start3A_131 = arith.constant 0 : i32
        %dma_start3A_132 = arith.constant 0 : i32
        %dma_start3A_133 = tpu.memref_slice %arg8[%dma_start3A_130, %dma_start3A_131, %dma_start3A_132] : memref<2x100x128xf32, #tpu.memory_space<vmem>> -> memref<1x100x128xf32, #tpu.memory_space<vmem>>
        %dma_start3A_134 = tpu.memref_squeeze %dma_start3A_133 : memref<1x100x128xf32, #tpu.memory_space<vmem>> -> memref<100x128xf32, #tpu.memory_space<vmem>>
        %dma_start3A_135 = arith.constant 0 : i32
        %dma_start3A_136 = tpu.memref_slice %arg6[%add3A_129, %dma_start3A_135] : memref<50x100xi32, #tpu.memory_space<vmem>> -> memref<1x100xi32, #tpu.memory_space<vmem>>
        %dma_start3A_137 = tpu.memref_squeeze %dma_start3A_136 : memref<1x100xi32, #tpu.memory_space<vmem>> -> memref<100xi32, #tpu.memory_space<vmem>>
        %dma_start3A_138 = arith.constant 0 : i32
        %dma_start3A_139 = arith.constant 0 : i32
        %dma_start3A_140 = tpu.memref_slice %arg2[%dma_start3A_138, %dma_start3A_139] : memref<10000x128xf32, #tpu.memory_space<hbm>> -> memref<10000x128xf32, #tpu.memory_space<hbm>>
        tpu.enqueue_indirect_dma source(%dma_start3A_140 : memref<10000x128xf32, #tpu.memory_space<hbm>>) target(%dma_start3A_134 : memref<100x128xf32, #tpu.memory_space<vmem>>) offsets(%dma_start3A_137 : memref<100xi32, #tpu.memory_space<vmem>>) semaphore(%arg11 : memref<!tpu.dma_semaphore, #tpu.memory_space<semaphore_mem>>)
      } else {
      }
    }
    %scan3A_75 = arith.constant 25 : i32
    %barrier3A_76 = arith.constant 0 : index
    tpu.barrier barrier_id(%barrier3A_76)
    %eq3A = arith.constant 0 : i32
    %eq3A_77 = arith.cmpi eq, %arg1, %eq3A : i32
    %convert_element_type3A_78 = arith.extui %eq3A_77 : i1 to i32
    %cond3A_79 = arith.constant 0 : i32
    %cond3A_80 = arith.cmpi ne, %convert_element_type3A_78, %cond3A_79 : i32
    scf.if %cond3A_80 {
      "tpu.region"() ({
        %run_scoped3A_82 = tpu.sem_alloc : memref<!tpu.dma_semaphore, #tpu.memory_space<semaphore_mem>>
        %dma_start3A_83 = arith.constant 0 : i32
        %dma_start3A_84 = arith.constant 0 : i32
        %dma_start3A_85 = tpu.memref_slice %arg5[%arg0, %dma_start3A_83, %dma_start3A_84] : memref<2x10000x128xf32, #tpu.memory_space<hbm>> -> memref<1x10000x128xf32, #tpu.memory_space<hbm>>
        %dma_start3A_86 = tpu.memref_squeeze %dma_start3A_85 : memref<1x10000x128xf32, #tpu.memory_space<hbm>> -> memref<10000x128xf32, #tpu.memory_space<hbm>>
        tpu.enqueue_dma source(%arg9 : memref<10000x128xf32, #tpu.memory_space<vmem_shared>>) target(%dma_start3A_86 : memref<10000x128xf32, #tpu.memory_space<hbm>>) target_semaphore(%run_scoped3A_82 : memref<!tpu.dma_semaphore, #tpu.memory_space<semaphore_mem>>)
        %dma_wait3A = arith.constant 0 : i32
        %dma_wait3A_87 = arith.constant 0 : i32
        %dma_wait3A_88 = tpu.memref_slice %arg5[%arg0, %dma_wait3A, %dma_wait3A_87] : memref<2x10000x128xf32, #tpu.memory_space<hbm>> -> memref<1x10000x128xf32, #tpu.memory_space<hbm>>
        %dma_wait3A_89 = tpu.memref_squeeze %dma_wait3A_88 : memref<1x10000x128xf32, #tpu.memory_space<hbm>> -> memref<10000x128xf32, #tpu.memory_space<hbm>>
        tpu.wait_dma2 semaphore(%run_scoped3A_82 : memref<!tpu.dma_semaphore, #tpu.memory_space<semaphore_mem>>) src(%arg9 : memref<10000x128xf32, #tpu.memory_space<vmem_shared>>) dst(%dma_wait3A_89 : memref<10000x128xf32, #tpu.memory_space<hbm>>)
        tpu.yield
      }) : () -> ()
    } else {
    }
    %barrier3A_81 = arith.constant 0 : index
    tpu.barrier barrier_id(%barrier3A_81)
    return
  }
}

#map = affine_map<(d0, d1) -> (0, 0)>
#map1 = affine_map<(d0, d1) -> (0, 0, 0, 0)>
#map2 = affine_map<(d0, d1) -> (0, 0, 0)>
module attributes {stable_mosaic.version = 14 : i64} {
  func.func @agg(%arg0: i32, %arg1: i32, %arg2: memref<10000x128xf32, #tpu.memory_space<hbm>>, %arg3: memref<32x2x50x100xi32, #tpu.memory_space<hbm>>, %arg4: memref<32x2x50x100xi32, #tpu.memory_space<hbm>>, %arg5: memref<2x10000x128xf32, #tpu.memory_space<hbm>>, %arg6: memref<50x100xi32, #tpu.memory_space<vmem>>, %arg7: memref<50x100xi32, #tpu.memory_space<vmem>>, %arg8: memref<2x100x128xf32, #tpu.memory_space<vmem>>, %arg9: memref<10000x128xf32, #tpu.memory_space<vmem_shared>>, %arg10: memref<!tpu.dma_semaphore, #tpu.memory_space<semaphore_mem>>, %arg11: memref<!tpu.dma_semaphore, #tpu.memory_space<semaphore_mem>>) attributes {dimension_semantics = [#tpu.dimension_semantics<core_parallel>, #tpu.dimension_semantics<subcore_parallel>], iteration_bounds = array<i64: 2, 16>, scalar_prefetch = 0 : i64, scratch_operands = 6 : i64, tpu.core_type = #tpu.core_type<sc_vector_subcore>, window_params = [{transform_indices = #map}, {transform_indices = #map1}, {transform_indices = #map1}, {transform_indices = #map2}]} {
    %mul3A = arith.constant 2 : i32
    %mul3A_0 = arith.muli %arg1, %mul3A : i32
    %add3A = arith.addi %mul3A_0, %arg0 : i32
    %scan3A = arith.constant 0 : i32
    %scan3A_1 = arith.constant 0 : i32
    %scan3A_2 = arith.constant 80 : i32
    %scan3A_3 = arith.addi %scan3A_1, %scan3A_2 : i32
    %scan3A_4 = arith.constant 1 : i32
    scf.for %scan3A_82 = %scan3A_1 to %scan3A_3 step %scan3A_4  : i32 {
      %scan3A_83 = arith.constant 0 : i32
      %scan3A_84 = arith.constant 8 : i32
      %scan3A_85 = arith.addi %scan3A_83, %scan3A_84 : i32
      %scan3A_86 = arith.constant 1 : i32
      scf.for %scan3A_88 = %scan3A_83 to %scan3A_85 step %scan3A_86  : i32 {
        %broadcast_in_dim3A = arith.constant 0.000000e+00 : f32
        %broadcast_in_dim3A_89 = vector.broadcast %broadcast_in_dim3A : f32 to vector<16xf32>
        %mul3A_90 = arith.constant 16 : i32
        %mul3A_91 = arith.muli %scan3A_88, %mul3A_90 : i32
        %swap3A = arith.constant 0 : i32
        %swap3A_92 = arith.index_cast %swap3A : i32 to index
        %swap3A_93 = arith.index_cast %scan3A_82 : i32 to index
        %swap3A_94 = arith.index_cast %mul3A_91 : i32 to index
        %swap3A_95 = tpu.vector_load %arg8[%swap3A_92, %swap3A_93, %swap3A_94] {strides = array<i32>} : memref<2x100x128xf32, #tpu.memory_space<vmem>>, vector<1x1x16xf32>,
        %swap3A_96 = vector.shape_cast %swap3A_95 : vector<1x1x16xf32> to vector<16xf32>
        %swap3A_97 = vector.shape_cast %broadcast_in_dim3A_89 : vector<16xf32> to vector<1x1x16xf32>
        tpu.vector_store %arg8[%swap3A_92, %swap3A_93, %swap3A_94], %swap3A_97 {strides = array<i32>} : memref<2x100x128xf32, #tpu.memory_space<vmem>>, vector<1x1x16xf32>,
      }
      %scan3A_87 = arith.constant 8 : i32
    }
    %scan3A_5 = arith.constant 80 : i32
    %scan3A_6 = arith.constant 0 : i32
    %scan3A_7 = arith.constant 0 : i32
    %scan3A_8 = arith.constant 7 : i32
    %scan3A_9 = arith.addi %scan3A_7, %scan3A_8 : i32
    %scan3A_10 = arith.constant 1 : i32
    scf.for %scan3A_82 = %scan3A_7 to %scan3A_9 step %scan3A_10  : i32 {
      %mul3A_83 = arith.constant 16 : i32
      %mul3A_84 = arith.muli %scan3A_82, %mul3A_83 : i32
      %add3A_85 = arith.addi %mul3A_84, %arg1 : i32
      %mul3A_86 = arith.constant 80 : i32
      %mul3A_87 = arith.muli %add3A_85, %mul3A_86 : i32
      %multiple_of3A = tpu.assume_multiple %mul3A_87, 80 : i32
      %run_scoped3A_88 = arith.constant 0 : i32
      "tpu.region"() ({
        %run_scoped3A_89 = tpu.sem_alloc : memref<!tpu.dma_semaphore, #tpu.memory_space<semaphore_mem>>
        %dma_start3A_90 = arith.constant 0 : i32
        %dma_start3A_91 = arith.constant 0 : i32
        %dma_start3A_92 = tpu.memref_slice %arg8[%run_scoped3A_88, %dma_start3A_90, %dma_start3A_91] : memref<2x100x128xf32, #tpu.memory_space<vmem>> -> memref<1x80x128xf32, #tpu.memory_space<vmem>>
        %dma_start3A_93 = tpu.memref_squeeze %dma_start3A_92 : memref<1x80x128xf32, #tpu.memory_space<vmem>> -> memref<80x128xf32, #tpu.memory_space<vmem>>
        %dma_start3A_94 = arith.constant 0 : i32
        %dma_start3A_95 = tpu.memref_slice %arg9[%multiple_of3A, %dma_start3A_94] : memref<10000x128xf32, #tpu.memory_space<vmem_shared>> -> memref<80x128xf32, #tpu.memory_space<vmem_shared>>
        %dma_start3A_96 = arith.constant 0 : i32
        %dma_start3A_97 = tpu.memref_slice %arg9[%multiple_of3A, %dma_start3A_96] : memref<10000x128xf32, #tpu.memory_space<vmem_shared>> -> memref<80x128xf32, #tpu.memory_space<vmem_shared>>
        %dma_start3A_98 = arith.constant 0 : i32
        %dma_start3A_99 = arith.constant 0 : i32
        %dma_start3A_100 = tpu.memref_slice %arg8[%run_scoped3A_88, %dma_start3A_98, %dma_start3A_99] : memref<2x100x128xf32, #tpu.memory_space<vmem>> -> memref<1x80x128xf32, #tpu.memory_space<vmem>>
        %dma_start3A_101 = tpu.memref_squeeze %dma_start3A_100 : memref<1x80x128xf32, #tpu.memory_space<vmem>> -> memref<80x128xf32, #tpu.memory_space<vmem>>
        tpu.enqueue_dma source(%dma_start3A_101 : memref<80x128xf32, #tpu.memory_space<vmem>>) target(%dma_start3A_97 : memref<80x128xf32, #tpu.memory_space<vmem_shared>>) target_semaphore(%run_scoped3A_89 : memref<!tpu.dma_semaphore, #tpu.memory_space<semaphore_mem>>)
        %dma_wait3A = arith.constant 0 : i32
        %dma_wait3A_102 = arith.constant 0 : i32
        %dma_wait3A_103 = tpu.memref_slice %arg8[%run_scoped3A_88, %dma_wait3A, %dma_wait3A_102] : memref<2x100x128xf32, #tpu.memory_space<vmem>> -> memref<1x80x128xf32, #tpu.memory_space<vmem>>
        %dma_wait3A_104 = tpu.memref_squeeze %dma_wait3A_103 : memref<1x80x128xf32, #tpu.memory_space<vmem>> -> memref<80x128xf32, #tpu.memory_space<vmem>>
        %dma_wait3A_105 = arith.constant 0 : i32
        %dma_wait3A_106 = tpu.memref_slice %arg9[%multiple_of3A, %dma_wait3A_105] : memref<10000x128xf32, #tpu.memory_space<vmem_shared>> -> memref<80x128xf32, #tpu.memory_space<vmem_shared>>
        %dma_wait3A_107 = arith.constant 0 : i32
        %dma_wait3A_108 = tpu.memref_slice %arg9[%multiple_of3A, %dma_wait3A_107] : memref<10000x128xf32, #tpu.memory_space<vmem_shared>> -> memref<80x128xf32, #tpu.memory_space<vmem_shared>>
        %dma_wait3A_109 = arith.constant 0 : i32
        %dma_wait3A_110 = arith.constant 0 : i32
        %dma_wait3A_111 = tpu.memref_slice %arg8[%run_scoped3A_88, %dma_wait3A_109, %dma_wait3A_110] : memref<2x100x128xf32, #tpu.memory_space<vmem>> -> memref<1x80x128xf32, #tpu.memory_space<vmem>>
        %dma_wait3A_112 = tpu.memref_squeeze %dma_wait3A_111 : memref<1x80x128xf32, #tpu.memory_space<vmem>> -> memref<80x128xf32, #tpu.memory_space<vmem>>
        tpu.wait_dma2 semaphore(%run_scoped3A_89 : memref<!tpu.dma_semaphore, #tpu.memory_space<semaphore_mem>>) src(%dma_wait3A_112 : memref<80x128xf32, #tpu.memory_space<vmem>>) dst(%dma_wait3A_108 : memref<80x128xf32, #tpu.memory_space<vmem_shared>>)
        tpu.yield
      }) : () -> ()
    }
    %scan3A_11 = arith.constant 7 : i32
    %lt3A = arith.constant 13 : i32
    %lt3A_12 = arith.cmpi slt, %arg1, %lt3A : i32
    %convert_element_type3A = arith.extui %lt3A_12 : i1 to i32
    %cond3A = arith.constant 0 : i32
    %cond3A_13 = arith.cmpi ne, %convert_element_type3A, %cond3A : i32
    scf.if %cond3A_13 {
      %add3A_82 = arith.constant 112 : i32
      %add3A_83 = arith.addi %add3A_82, %arg1 : i32
      %mul3A_84 = arith.constant 80 : i32
      %mul3A_85 = arith.muli %add3A_83, %mul3A_84 : i32
      %multiple_of3A = tpu.assume_multiple %mul3A_85, 80 : i32
      %run_scoped3A_86 = arith.constant 0 : i32
      "tpu.region"() ({
        %run_scoped3A_87 = tpu.sem_alloc : memref<!tpu.dma_semaphore, #tpu.memory_space<semaphore_mem>>
        %dma_start3A_88 = arith.constant 0 : i32
        %dma_start3A_89 = arith.constant 0 : i32
        %dma_start3A_90 = tpu.memref_slice %arg8[%run_scoped3A_86, %dma_start3A_88, %dma_start3A_89] : memref<2x100x128xf32, #tpu.memory_space<vmem>> -> memref<1x80x128xf32, #tpu.memory_space<vmem>>
        %dma_start3A_91 = tpu.memref_squeeze %dma_start3A_90 : memref<1x80x128xf32, #tpu.memory_space<vmem>> -> memref<80x128xf32, #tpu.memory_space<vmem>>
        %dma_start3A_92 = arith.constant 0 : i32
        %dma_start3A_93 = tpu.memref_slice %arg9[%multiple_of3A, %dma_start3A_92] : memref<10000x128xf32, #tpu.memory_space<vmem_shared>> -> memref<80x128xf32, #tpu.memory_space<vmem_shared>>
        %dma_start3A_94 = arith.constant 0 : i32
        %dma_start3A_95 = tpu.memref_slice %arg9[%multiple_of3A, %dma_start3A_94] : memref<10000x128xf32, #tpu.memory_space<vmem_shared>> -> memref<80x128xf32, #tpu.memory_space<vmem_shared>>
        %dma_start3A_96 = arith.constant 0 : i32
        %dma_start3A_97 = arith.constant 0 : i32
        %dma_start3A_98 = tpu.memref_slice %arg8[%run_scoped3A_86, %dma_start3A_96, %dma_start3A_97] : memref<2x100x128xf32, #tpu.memory_space<vmem>> -> memref<1x80x128xf32, #tpu.memory_space<vmem>>
        %dma_start3A_99 = tpu.memref_squeeze %dma_start3A_98 : memref<1x80x128xf32, #tpu.memory_space<vmem>> -> memref<80x128xf32, #tpu.memory_space<vmem>>
        tpu.enqueue_dma source(%dma_start3A_99 : memref<80x128xf32, #tpu.memory_space<vmem>>) target(%dma_start3A_95 : memref<80x128xf32, #tpu.memory_space<vmem_shared>>) target_semaphore(%run_scoped3A_87 : memref<!tpu.dma_semaphore, #tpu.memory_space<semaphore_mem>>)
        %dma_wait3A = arith.constant 0 : i32
        %dma_wait3A_100 = arith.constant 0 : i32
        %dma_wait3A_101 = tpu.memref_slice %arg8[%run_scoped3A_86, %dma_wait3A, %dma_wait3A_100] : memref<2x100x128xf32, #tpu.memory_space<vmem>> -> memref<1x80x128xf32, #tpu.memory_space<vmem>>
        %dma_wait3A_102 = tpu.memref_squeeze %dma_wait3A_101 : memref<1x80x128xf32, #tpu.memory_space<vmem>> -> memref<80x128xf32, #tpu.memory_space<vmem>>
        %dma_wait3A_103 = arith.constant 0 : i32
        %dma_wait3A_104 = tpu.memref_slice %arg9[%multiple_of3A, %dma_wait3A_103] : memref<10000x128xf32, #tpu.memory_space<vmem_shared>> -> memref<80x128xf32, #tpu.memory_space<vmem_shared>>
        %dma_wait3A_105 = arith.constant 0 : i32
        %dma_wait3A_106 = tpu.memref_slice %arg9[%multiple_of3A, %dma_wait3A_105] : memref<10000x128xf32, #tpu.memory_space<vmem_shared>> -> memref<80x128xf32, #tpu.memory_space<vmem_shared>>
        %dma_wait3A_107 = arith.constant 0 : i32
        %dma_wait3A_108 = arith.constant 0 : i32
        %dma_wait3A_109 = tpu.memref_slice %arg8[%run_scoped3A_86, %dma_wait3A_107, %dma_wait3A_108] : memref<2x100x128xf32, #tpu.memory_space<vmem>> -> memref<1x80x128xf32, #tpu.memory_space<vmem>>
        %dma_wait3A_110 = tpu.memref_squeeze %dma_wait3A_109 : memref<1x80x128xf32, #tpu.memory_space<vmem>> -> memref<80x128xf32, #tpu.memory_space<vmem>>
        tpu.wait_dma2 semaphore(%run_scoped3A_87 : memref<!tpu.dma_semaphore, #tpu.memory_space<semaphore_mem>>) src(%dma_wait3A_110 : memref<80x128xf32, #tpu.memory_space<vmem>>) dst(%dma_wait3A_106 : memref<80x128xf32, #tpu.memory_space<vmem_shared>>)
        tpu.yield
      }) : () -> ()
    } else {
    }
    %barrier3A = arith.constant 0 : index
    tpu.barrier barrier_id(%barrier3A)
    %run_scoped3A = arith.constant 0 : i32
    "tpu.region"() ({
      %run_scoped3A_82 = tpu.sem_alloc : memref<!tpu.dma_semaphore, #tpu.memory_space<semaphore_mem>>
      %dma_start3A_83 = arith.constant 0 : i32
      %dma_start3A_84 = arith.constant 0 : i32
      %dma_start3A_85 = tpu.memref_slice %arg3[%add3A, %run_scoped3A, %dma_start3A_83, %dma_start3A_84] : memref<32x2x50x100xi32, #tpu.memory_space<hbm>> -> memref<1x1x50x100xi32, #tpu.memory_space<hbm>>
      %dma_start3A_86 = tpu.memref_squeeze %dma_start3A_85 : memref<1x1x50x100xi32, #tpu.memory_space<hbm>> -> memref<50x100xi32, #tpu.memory_space<hbm>>
      %dma_start3A_87 = arith.constant 0 : i32
      %dma_start3A_88 = arith.constant 0 : i32
      %dma_start3A_89 = tpu.memref_slice %arg3[%add3A, %run_scoped3A, %dma_start3A_87, %dma_start3A_88] : memref<32x2x50x100xi32, #tpu.memory_space<hbm>> -> memref<1x1x50x100xi32, #tpu.memory_space<hbm>>
      %dma_start3A_90 = tpu.memref_squeeze %dma_start3A_89 : memref<1x1x50x100xi32, #tpu.memory_space<hbm>> -> memref<50x100xi32, #tpu.memory_space<hbm>>
      tpu.enqueue_dma source(%dma_start3A_90 : memref<50x100xi32, #tpu.memory_space<hbm>>) target(%arg6 : memref<50x100xi32, #tpu.memory_space<vmem>>) target_semaphore(%run_scoped3A_82 : memref<!tpu.dma_semaphore, #tpu.memory_space<semaphore_mem>>)
      %dma_wait3A = arith.constant 0 : i32
      %dma_wait3A_91 = arith.constant 0 : i32
      %dma_wait3A_92 = tpu.memref_slice %arg3[%add3A, %run_scoped3A, %dma_wait3A, %dma_wait3A_91] : memref<32x2x50x100xi32, #tpu.memory_space<hbm>> -> memref<1x1x50x100xi32, #tpu.memory_space<hbm>>
      %dma_wait3A_93 = tpu.memref_squeeze %dma_wait3A_92 : memref<1x1x50x100xi32, #tpu.memory_space<hbm>> -> memref<50x100xi32, #tpu.memory_space<hbm>>
      %dma_wait3A_94 = arith.constant 0 : i32
      %dma_wait3A_95 = arith.constant 0 : i32
      %dma_wait3A_96 = tpu.memref_slice %arg3[%add3A, %run_scoped3A, %dma_wait3A_94, %dma_wait3A_95] : memref<32x2x50x100xi32, #tpu.memory_space<hbm>> -> memref<1x1x50x100xi32, #tpu.memory_space<hbm>>
      %dma_wait3A_97 = tpu.memref_squeeze %dma_wait3A_96 : memref<1x1x50x100xi32, #tpu.memory_space<hbm>> -> memref<50x100xi32, #tpu.memory_space<hbm>>
      tpu.wait_dma2 semaphore(%run_scoped3A_82 : memref<!tpu.dma_semaphore, #tpu.memory_space<semaphore_mem>>) src(%dma_wait3A_97 : memref<50x100xi32, #tpu.memory_space<hbm>>) dst(%arg6 : memref<50x100xi32, #tpu.memory_space<vmem>>)
      tpu.yield
    }) : () -> ()
    %run_scoped3A_14 = arith.constant 0 : i32
    "tpu.region"() ({
      %run_scoped3A_82 = tpu.sem_alloc : memref<!tpu.dma_semaphore, #tpu.memory_space<semaphore_mem>>
      %dma_start3A_83 = arith.constant 0 : i32
      %dma_start3A_84 = arith.constant 0 : i32
      %dma_start3A_85 = tpu.memref_slice %arg4[%add3A, %run_scoped3A_14, %dma_start3A_83, %dma_start3A_84] : memref<32x2x50x100xi32, #tpu.memory_space<hbm>> -> memref<1x1x50x100xi32, #tpu.memory_space<hbm>>
      %dma_start3A_86 = tpu.memref_squeeze %dma_start3A_85 : memref<1x1x50x100xi32, #tpu.memory_space<hbm>> -> memref<50x100xi32, #tpu.memory_space<hbm>>
      %dma_start3A_87 = arith.constant 0 : i32
      %dma_start3A_88 = arith.constant 0 : i32
      %dma_start3A_89 = tpu.memref_slice %arg4[%add3A, %run_scoped3A_14, %dma_start3A_87, %dma_start3A_88] : memref<32x2x50x100xi32, #tpu.memory_space<hbm>> -> memref<1x1x50x100xi32, #tpu.memory_space<hbm>>
      %dma_start3A_90 = tpu.memref_squeeze %dma_start3A_89 : memref<1x1x50x100xi32, #tpu.memory_space<hbm>> -> memref<50x100xi32, #tpu.memory_space<hbm>>
      tpu.enqueue_dma source(%dma_start3A_90 : memref<50x100xi32, #tpu.memory_space<hbm>>) target(%arg7 : memref<50x100xi32, #tpu.memory_space<vmem>>) target_semaphore(%run_scoped3A_82 : memref<!tpu.dma_semaphore, #tpu.memory_space<semaphore_mem>>)
      %dma_wait3A = arith.constant 0 : i32
      %dma_wait3A_91 = arith.constant 0 : i32
      %dma_wait3A_92 = tpu.memref_slice %arg4[%add3A, %run_scoped3A_14, %dma_wait3A, %dma_wait3A_91] : memref<32x2x50x100xi32, #tpu.memory_space<hbm>> -> memref<1x1x50x100xi32, #tpu.memory_space<hbm>>
      %dma_wait3A_93 = tpu.memref_squeeze %dma_wait3A_92 : memref<1x1x50x100xi32, #tpu.memory_space<hbm>> -> memref<50x100xi32, #tpu.memory_space<hbm>>
      %dma_wait3A_94 = arith.constant 0 : i32
      %dma_wait3A_95 = arith.constant 0 : i32
      %dma_wait3A_96 = tpu.memref_slice %arg4[%add3A, %run_scoped3A_14, %dma_wait3A_94, %dma_wait3A_95] : memref<32x2x50x100xi32, #tpu.memory_space<hbm>> -> memref<1x1x50x100xi32, #tpu.memory_space<hbm>>
      %dma_wait3A_97 = tpu.memref_squeeze %dma_wait3A_96 : memref<1x1x50x100xi32, #tpu.memory_space<hbm>> -> memref<50x100xi32, #tpu.memory_space<hbm>>
      tpu.wait_dma2 semaphore(%run_scoped3A_82 : memref<!tpu.dma_semaphore, #tpu.memory_space<semaphore_mem>>) src(%dma_wait3A_97 : memref<50x100xi32, #tpu.memory_space<hbm>>) dst(%arg7 : memref<50x100xi32, #tpu.memory_space<vmem>>)
      tpu.yield
    }) : () -> ()
    %dma_start3A = arith.constant 0 : i32
    %dma_start3A_15 = arith.constant 0 : i32
    %dma_start3A_16 = arith.constant 0 : i32
    %dma_start3A_17 = arith.constant 0 : i32
    %dma_start3A_18 = tpu.memref_slice %arg8[%dma_start3A_15, %dma_start3A_16, %dma_start3A_17] : memref<2x100x128xf32, #tpu.memory_space<vmem>> -> memref<1x100x128xf32, #tpu.memory_space<vmem>>
    %dma_start3A_19 = tpu.memref_squeeze %dma_start3A_18 : memref<1x100x128xf32, #tpu.memory_space<vmem>> -> memref<100x128xf32, #tpu.memory_space<vmem>>
    %dma_start3A_20 = arith.constant 0 : i32
    %dma_start3A_21 = tpu.memref_slice %arg6[%dma_start3A, %dma_start3A_20] : memref<50x100xi32, #tpu.memory_space<vmem>> -> memref<1x100xi32, #tpu.memory_space<vmem>>
    %dma_start3A_22 = tpu.memref_squeeze %dma_start3A_21 : memref<1x100xi32, #tpu.memory_space<vmem>> -> memref<100xi32, #tpu.memory_space<vmem>>
    %dma_start3A_23 = arith.constant 0 : i32
    %dma_start3A_24 = arith.constant 0 : i32
    %dma_start3A_25 = tpu.memref_slice %arg2[%dma_start3A_23, %dma_start3A_24] : memref<10000x128xf32, #tpu.memory_space<hbm>> -> memref<10000x128xf32, #tpu.memory_space<hbm>>
    tpu.enqueue_indirect_dma source(%dma_start3A_25 : memref<10000x128xf32, #tpu.memory_space<hbm>>) target(%dma_start3A_19 : memref<100x128xf32, #tpu.memory_space<vmem>>) offsets(%dma_start3A_22 : memref<100xi32, #tpu.memory_space<vmem>>) semaphore(%arg10 : memref<!tpu.dma_semaphore, #tpu.memory_space<semaphore_mem>>)
    %dma_start3A_26 = arith.constant 1 : i32
    %dma_start3A_27 = arith.constant 1 : i32
    %dma_start3A_28 = arith.constant 0 : i32
    %dma_start3A_29 = arith.constant 0 : i32
    %dma_start3A_30 = tpu.memref_slice %arg8[%dma_start3A_27, %dma_start3A_28, %dma_start3A_29] : memref<2x100x128xf32, #tpu.memory_space<vmem>> -> memref<1x100x128xf32, #tpu.memory_space<vmem>>
    %dma_start3A_31 = tpu.memref_squeeze %dma_start3A_30 : memref<1x100x128xf32, #tpu.memory_space<vmem>> -> memref<100x128xf32, #tpu.memory_space<vmem>>
    %dma_start3A_32 = arith.constant 0 : i32
    %dma_start3A_33 = tpu.memref_slice %arg6[%dma_start3A_26, %dma_start3A_32] : memref<50x100xi32, #tpu.memory_space<vmem>> -> memref<1x100xi32, #tpu.memory_space<vmem>>
    %dma_start3A_34 = tpu.memref_squeeze %dma_start3A_33 : memref<1x100xi32, #tpu.memory_space<vmem>> -> memref<100xi32, #tpu.memory_space<vmem>>
    %dma_start3A_35 = arith.constant 0 : i32
    %dma_start3A_36 = arith.constant 0 : i32
    %dma_start3A_37 = tpu.memref_slice %arg2[%dma_start3A_35, %dma_start3A_36] : memref<10000x128xf32, #tpu.memory_space<hbm>> -> memref<10000x128xf32, #tpu.memory_space<hbm>>
    tpu.enqueue_indirect_dma source(%dma_start3A_37 : memref<10000x128xf32, #tpu.memory_space<hbm>>) target(%dma_start3A_31 : memref<100x128xf32, #tpu.memory_space<vmem>>) offsets(%dma_start3A_34 : memref<100xi32, #tpu.memory_space<vmem>>) semaphore(%arg11 : memref<!tpu.dma_semaphore, #tpu.memory_space<semaphore_mem>>)
    %scan3A_38 = arith.constant 0 : i32
    %scan3A_39 = arith.constant 0 : i32
    %scan3A_40 = arith.constant 25 : i32
    %scan3A_41 = arith.addi %scan3A_39, %scan3A_40 : i32
    %scan3A_42 = arith.constant 1 : i32
    scf.for %scan3A_82 = %scan3A_39 to %scan3A_41 step %scan3A_42  : i32 {
      %mul3A_83 = arith.constant 2 : i32
      %mul3A_84 = arith.muli %scan3A_82, %mul3A_83 : i32
      %add3A_85 = arith.constant 0 : i32
      %add3A_86 = arith.addi %mul3A_84, %add3A_85 : i32
      %dma_wait3A = arith.constant 0 : i32
      %dma_wait3A_87 = arith.constant 0 : i32
      %dma_wait3A_88 = arith.constant 0 : i32
      %dma_wait3A_89 = tpu.memref_slice %arg8[%dma_wait3A, %dma_wait3A_87, %dma_wait3A_88] : memref<2x100x128xf32, #tpu.memory_space<vmem>> -> memref<1x100x128xf32, #tpu.memory_space<vmem>>
      %dma_wait3A_90 = tpu.memref_squeeze %dma_wait3A_89 : memref<1x100x128xf32, #tpu.memory_space<vmem>> -> memref<100x128xf32, #tpu.memory_space<vmem>>
      %dma_wait3A_91 = arith.constant 0 : i32
      %dma_wait3A_92 = tpu.memref_slice %arg6[%add3A_86, %dma_wait3A_91] : memref<50x100xi32, #tpu.memory_space<vmem>> -> memref<1x100xi32, #tpu.memory_space<vmem>>
      %dma_wait3A_93 = tpu.memref_squeeze %dma_wait3A_92 : memref<1x100xi32, #tpu.memory_space<vmem>> -> memref<100xi32, #tpu.memory_space<vmem>>
      %dma_wait3A_94 = arith.constant 0 : i32
      %dma_wait3A_95 = arith.constant 0 : i32
      %dma_wait3A_96 = tpu.memref_slice %arg2[%dma_wait3A_94, %dma_wait3A_95] : memref<10000x128xf32, #tpu.memory_space<hbm>> -> memref<10000x128xf32, #tpu.memory_space<hbm>>
      tpu.wait_indirect_dma semaphore(%arg10 : memref<!tpu.dma_semaphore, #tpu.memory_space<semaphore_mem>>) src(%dma_wait3A_96 : memref<10000x128xf32, #tpu.memory_space<hbm>>) dst(%dma_wait3A_90 : memref<100x128xf32, #tpu.memory_space<vmem>>)
      %run_scoped3A_97 = arith.constant 0 : i32
      "tpu.region"() ({
        %run_scoped3A_128 = tpu.sem_alloc : memref<!tpu.dma_semaphore, #tpu.memory_space<semaphore_mem>>
        %dma_start3A_129 = arith.constant 0 : i32
        %dma_start3A_130 = arith.constant 0 : i32
        %dma_start3A_131 = tpu.memref_slice %arg8[%run_scoped3A_97, %dma_start3A_129, %dma_start3A_130] : memref<2x100x128xf32, #tpu.memory_space<vmem>> -> memref<1x100x128xf32, #tpu.memory_space<vmem>>
        %dma_start3A_132 = tpu.memref_squeeze %dma_start3A_131 : memref<1x100x128xf32, #tpu.memory_space<vmem>> -> memref<100x128xf32, #tpu.memory_space<vmem>>
        %dma_start3A_133 = arith.constant 0 : i32
        %dma_start3A_134 = tpu.memref_slice %arg7[%add3A_86, %dma_start3A_133] : memref<50x100xi32, #tpu.memory_space<vmem>> -> memref<1x100xi32, #tpu.memory_space<vmem>>
        %dma_start3A_135 = tpu.memref_squeeze %dma_start3A_134 : memref<1x100xi32, #tpu.memory_space<vmem>> -> memref<100xi32, #tpu.memory_space<vmem>>
        %dma_start3A_136 = arith.constant 0 : i32
        %dma_start3A_137 = arith.constant 0 : i32
        %dma_start3A_138 = tpu.memref_slice %arg9[%dma_start3A_136, %dma_start3A_137] : memref<10000x128xf32, #tpu.memory_space<vmem_shared>> -> memref<10000x128xf32, #tpu.memory_space<vmem_shared>>
        tpu.enqueue_indirect_dma source(%dma_start3A_132 : memref<100x128xf32, #tpu.memory_space<vmem>>) target(%dma_start3A_138 : memref<10000x128xf32, #tpu.memory_space<vmem_shared>>) offsets(%dma_start3A_135 : memref<100xi32, #tpu.memory_space<vmem>>) semaphore(%run_scoped3A_128 : memref<!tpu.dma_semaphore, #tpu.memory_space<semaphore_mem>>) {add = true}
        %dma_wait3A_139 = arith.constant 0 : i32
        %dma_wait3A_140 = arith.constant 0 : i32
        %dma_wait3A_141 = tpu.memref_slice %arg8[%run_scoped3A_97, %dma_wait3A_139, %dma_wait3A_140] : memref<2x100x128xf32, #tpu.memory_space<vmem>> -> memref<1x100x128xf32, #tpu.memory_space<vmem>>
        %dma_wait3A_142 = tpu.memref_squeeze %dma_wait3A_141 : memref<1x100x128xf32, #tpu.memory_space<vmem>> -> memref<100x128xf32, #tpu.memory_space<vmem>>
        %dma_wait3A_143 = arith.constant 0 : i32
        %dma_wait3A_144 = tpu.memref_slice %arg7[%add3A_86, %dma_wait3A_143] : memref<50x100xi32, #tpu.memory_space<vmem>> -> memref<1x100xi32, #tpu.memory_space<vmem>>
        %dma_wait3A_145 = tpu.memref_squeeze %dma_wait3A_144 : memref<1x100xi32, #tpu.memory_space<vmem>> -> memref<100xi32, #tpu.memory_space<vmem>>
        %dma_wait3A_146 = arith.constant 0 : i32
        %dma_wait3A_147 = arith.constant 0 : i32
        %dma_wait3A_148 = tpu.memref_slice %arg9[%dma_wait3A_146, %dma_wait3A_147] : memref<10000x128xf32, #tpu.memory_space<vmem_shared>> -> memref<10000x128xf32, #tpu.memory_space<vmem_shared>>
        tpu.wait_indirect_dma semaphore(%run_scoped3A_128 : memref<!tpu.dma_semaphore, #tpu.memory_space<semaphore_mem>>) src(%dma_wait3A_142 : memref<100x128xf32, #tpu.memory_space<vmem>>) dst(%dma_wait3A_148 : memref<10000x128xf32, #tpu.memory_space<vmem_shared>>)
        tpu.yield
      }) : () -> ()
      %add3A_98 = arith.constant 2 : i32
      %add3A_99 = arith.addi %add3A_86, %add3A_98 : i32
      %lt3A_100 = arith.constant 50 : i32
      %lt3A_101 = arith.cmpi slt, %add3A_99, %lt3A_100 : i32
      %convert_element_type3A_102 = arith.extui %lt3A_101 : i1 to i32
      %cond3A_103 = arith.constant 0 : i32
      %cond3A_104 = arith.cmpi ne, %convert_element_type3A_102, %cond3A_103 : i32
      scf.if %cond3A_104 {
        %add3A_128 = arith.constant 2 : i32
        %add3A_129 = arith.addi %add3A_86, %add3A_128 : i32
        %dma_start3A_130 = arith.constant 0 : i32
        %dma_start3A_131 = arith.constant 0 : i32
        %dma_start3A_132 = arith.constant 0 : i32
        %dma_start3A_133 = tpu.memref_slice %arg8[%dma_start3A_130, %dma_start3A_131, %dma_start3A_132] : memref<2x100x128xf32, #tpu.memory_space<vmem>> -> memref<1x100x128xf32, #tpu.memory_space<vmem>>
        %dma_start3A_134 = tpu.memref_squeeze %dma_start3A_133 : memref<1x100x128xf32, #tpu.memory_space<vmem>> -> memref<100x128xf32, #tpu.memory_space<vmem>>
        %dma_start3A_135 = arith.constant 0 : i32
        %dma_start3A_136 = tpu.memref_slice %arg6[%add3A_129, %dma_start3A_135] : memref<50x100xi32, #tpu.memory_space<vmem>> -> memref<1x100xi32, #tpu.memory_space<vmem>>
        %dma_start3A_137 = tpu.memref_squeeze %dma_start3A_136 : memref<1x100xi32, #tpu.memory_space<vmem>> -> memref<100xi32, #tpu.memory_space<vmem>>
        %dma_start3A_138 = arith.constant 0 : i32
        %dma_start3A_139 = arith.constant 0 : i32
        %dma_start3A_140 = tpu.memref_slice %arg2[%dma_start3A_138, %dma_start3A_139] : memref<10000x128xf32, #tpu.memory_space<hbm>> -> memref<10000x128xf32, #tpu.memory_space<hbm>>
        tpu.enqueue_indirect_dma source(%dma_start3A_140 : memref<10000x128xf32, #tpu.memory_space<hbm>>) target(%dma_start3A_134 : memref<100x128xf32, #tpu.memory_space<vmem>>) offsets(%dma_start3A_137 : memref<100xi32, #tpu.memory_space<vmem>>) semaphore(%arg10 : memref<!tpu.dma_semaphore, #tpu.memory_space<semaphore_mem>>)
      } else {
      }
      %mul3A_105 = arith.constant 2 : i32
      %mul3A_106 = arith.muli %scan3A_82, %mul3A_105 : i32
      %add3A_107 = arith.constant 1 : i32
      %add3A_108 = arith.addi %mul3A_106, %add3A_107 : i32
      %dma_wait3A_109 = arith.constant 1 : i32
      %dma_wait3A_110 = arith.constant 0 : i32
      %dma_wait3A_111 = arith.constant 0 : i32
      %dma_wait3A_112 = tpu.memref_slice %arg8[%dma_wait3A_109, %dma_wait3A_110, %dma_wait3A_111] : memref<2x100x128xf32, #tpu.memory_space<vmem>> -> memref<1x100x128xf32, #tpu.memory_space<vmem>>
      %dma_wait3A_113 = tpu.memref_squeeze %dma_wait3A_112 : memref<1x100x128xf32, #tpu.memory_space<vmem>> -> memref<100x128xf32, #tpu.memory_space<vmem>>
      %dma_wait3A_114 = arith.constant 0 : i32
      %dma_wait3A_115 = tpu.memref_slice %arg6[%add3A_108, %dma_wait3A_114] : memref<50x100xi32, #tpu.memory_space<vmem>> -> memref<1x100xi32, #tpu.memory_space<vmem>>
      %dma_wait3A_116 = tpu.memref_squeeze %dma_wait3A_115 : memref<1x100xi32, #tpu.memory_space<vmem>> -> memref<100xi32, #tpu.memory_space<vmem>>
      %dma_wait3A_117 = arith.constant 0 : i32
      %dma_wait3A_118 = arith.constant 0 : i32
      %dma_wait3A_119 = tpu.memref_slice %arg2[%dma_wait3A_117, %dma_wait3A_118] : memref<10000x128xf32, #tpu.memory_space<hbm>> -> memref<10000x128xf32, #tpu.memory_space<hbm>>
      tpu.wait_indirect_dma semaphore(%arg11 : memref<!tpu.dma_semaphore, #tpu.memory_space<semaphore_mem>>) src(%dma_wait3A_119 : memref<10000x128xf32, #tpu.memory_space<hbm>>) dst(%dma_wait3A_113 : memref<100x128xf32, #tpu.memory_space<vmem>>)
      %run_scoped3A_120 = arith.constant 1 : i32
      "tpu.region"() ({
        %run_scoped3A_128 = tpu.sem_alloc : memref<!tpu.dma_semaphore, #tpu.memory_space<semaphore_mem>>
        %dma_start3A_129 = arith.constant 0 : i32
        %dma_start3A_130 = arith.constant 0 : i32
        %dma_start3A_131 = tpu.memref_slice %arg8[%run_scoped3A_120, %dma_start3A_129, %dma_start3A_130] : memref<2x100x128xf32, #tpu.memory_space<vmem>> -> memref<1x100x128xf32, #tpu.memory_space<vmem>>
        %dma_start3A_132 = tpu.memref_squeeze %dma_start3A_131 : memref<1x100x128xf32, #tpu.memory_space<vmem>> -> memref<100x128xf32, #tpu.memory_space<vmem>>
        %dma_start3A_133 = arith.constant 0 : i32
        %dma_start3A_134 = tpu.memref_slice %arg7[%add3A_108, %dma_start3A_133] : memref<50x100xi32, #tpu.memory_space<vmem>> -> memref<1x100xi32, #tpu.memory_space<vmem>>
        %dma_start3A_135 = tpu.memref_squeeze %dma_start3A_134 : memref<1x100xi32, #tpu.memory_space<vmem>> -> memref<100xi32, #tpu.memory_space<vmem>>
        %dma_start3A_136 = arith.constant 0 : i32
        %dma_start3A_137 = arith.constant 0 : i32
        %dma_start3A_138 = tpu.memref_slice %arg9[%dma_start3A_136, %dma_start3A_137] : memref<10000x128xf32, #tpu.memory_space<vmem_shared>> -> memref<10000x128xf32, #tpu.memory_space<vmem_shared>>
        tpu.enqueue_indirect_dma source(%dma_start3A_132 : memref<100x128xf32, #tpu.memory_space<vmem>>) target(%dma_start3A_138 : memref<10000x128xf32, #tpu.memory_space<vmem_shared>>) offsets(%dma_start3A_135 : memref<100xi32, #tpu.memory_space<vmem>>) semaphore(%run_scoped3A_128 : memref<!tpu.dma_semaphore, #tpu.memory_space<semaphore_mem>>) {add = true}
        %dma_wait3A_139 = arith.constant 0 : i32
        %dma_wait3A_140 = arith.constant 0 : i32
        %dma_wait3A_141 = tpu.memref_slice %arg8[%run_scoped3A_120, %dma_wait3A_139, %dma_wait3A_140] : memref<2x100x128xf32, #tpu.memory_space<vmem>> -> memref<1x100x128xf32, #tpu.memory_space<vmem>>
        %dma_wait3A_142 = tpu.memref_squeeze %dma_wait3A_141 : memref<1x100x128xf32, #tpu.memory_space<vmem>> -> memref<100x128xf32, #tpu.memory_space<vmem>>
        %dma_wait3A_143 = arith.constant 0 : i32
        %dma_wait3A_144 = tpu.memref_slice %arg7[%add3A_108, %dma_wait3A_143] : memref<50x100xi32, #tpu.memory_space<vmem>> -> memref<1x100xi32, #tpu.memory_space<vmem>>
        %dma_wait3A_145 = tpu.memref_squeeze %dma_wait3A_144 : memref<1x100xi32, #tpu.memory_space<vmem>> -> memref<100xi32, #tpu.memory_space<vmem>>
        %dma_wait3A_146 = arith.constant 0 : i32
        %dma_wait3A_147 = arith.constant 0 : i32
        %dma_wait3A_148 = tpu.memref_slice %arg9[%dma_wait3A_146, %dma_wait3A_147] : memref<10000x128xf32, #tpu.memory_space<vmem_shared>> -> memref<10000x128xf32, #tpu.memory_space<vmem_shared>>
        tpu.wait_indirect_dma semaphore(%run_scoped3A_128 : memref<!tpu.dma_semaphore, #tpu.memory_space<semaphore_mem>>) src(%dma_wait3A_142 : memref<100x128xf32, #tpu.memory_space<vmem>>) dst(%dma_wait3A_148 : memref<10000x128xf32, #tpu.memory_space<vmem_shared>>)
        tpu.yield
      }) : () -> ()
      %add3A_121 = arith.constant 2 : i32
      %add3A_122 = arith.addi %add3A_108, %add3A_121 : i32
      %lt3A_123 = arith.constant 50 : i32
      %lt3A_124 = arith.cmpi slt, %add3A_122, %lt3A_123 : i32
      %convert_element_type3A_125 = arith.extui %lt3A_124 : i1 to i32
      %cond3A_126 = arith.constant 0 : i32
      %cond3A_127 = arith.cmpi ne, %convert_element_type3A_125, %cond3A_126 : i32
      scf.if %cond3A_127 {
        %add3A_128 = arith.constant 2 : i32
        %add3A_129 = arith.addi %add3A_108, %add3A_128 : i32
        %dma_start3A_130 = arith.constant 1 : i32
        %dma_start3A_131 = arith.constant 0 : i32
        %dma_start3A_132 = arith.constant 0 : i32
        %dma_start3A_133 = tpu.memref_slice %arg8[%dma_start3A_130, %dma_start3A_131, %dma_start3A_132] : memref<2x100x128xf32, #tpu.memory_space<vmem>> -> memref<1x100x128xf32, #tpu.memory_space<vmem>>
        %dma_start3A_134 = tpu.memref_squeeze %dma_start3A_133 : memref<1x100x128xf32, #tpu.memory_space<vmem>> -> memref<100x128xf32, #tpu.memory_space<vmem>>
        %dma_start3A_135 = arith.constant 0 : i32
        %dma_start3A_136 = tpu.memref_slice %arg6[%add3A_129, %dma_start3A_135] : memref<50x100xi32, #tpu.memory_space<vmem>> -> memref<1x100xi32, #tpu.memory_space<vmem>>
        %dma_start3A_137 = tpu.memref_squeeze %dma_start3A_136 : memref<1x100xi32, #tpu.memory_space<vmem>> -> memref<100xi32, #tpu.memory_space<vmem>>
        %dma_start3A_138 = arith.constant 0 : i32
        %dma_start3A_139 = arith.constant 0 : i32
        %dma_start3A_140 = tpu.memref_slice %arg2[%dma_start3A_138, %dma_start3A_139] : memref<10000x128xf32, #tpu.memory_space<hbm>> -> memref<10000x128xf32, #tpu.memory_space<hbm>>
        tpu.enqueue_indirect_dma source(%dma_start3A_140 : memref<10000x128xf32, #tpu.memory_space<hbm>>) target(%dma_start3A_134 : memref<100x128xf32, #tpu.memory_space<vmem>>) offsets(%dma_start3A_137 : memref<100xi32, #tpu.memory_space<vmem>>) semaphore(%arg11 : memref<!tpu.dma_semaphore, #tpu.memory_space<semaphore_mem>>)
      } else {
      }
    }
    %scan3A_43 = arith.constant 25 : i32
    %run_scoped3A_44 = arith.constant 1 : i32
    "tpu.region"() ({
      %run_scoped3A_82 = tpu.sem_alloc : memref<!tpu.dma_semaphore, #tpu.memory_space<semaphore_mem>>
      %dma_start3A_83 = arith.constant 0 : i32
      %dma_start3A_84 = arith.constant 0 : i32
      %dma_start3A_85 = tpu.memref_slice %arg3[%add3A, %run_scoped3A_44, %dma_start3A_83, %dma_start3A_84] : memref<32x2x50x100xi32, #tpu.memory_space<hbm>> -> memref<1x1x50x100xi32, #tpu.memory_space<hbm>>
      %dma_start3A_86 = tpu.memref_squeeze %dma_start3A_85 : memref<1x1x50x100xi32, #tpu.memory_space<hbm>> -> memref<50x100xi32, #tpu.memory_space<hbm>>
      %dma_start3A_87 = arith.constant 0 : i32
      %dma_start3A_88 = arith.constant 0 : i32
      %dma_start3A_89 = tpu.memref_slice %arg3[%add3A, %run_scoped3A_44, %dma_start3A_87, %dma_start3A_88] : memref<32x2x50x100xi32, #tpu.memory_space<hbm>> -> memref<1x1x50x100xi32, #tpu.memory_space<hbm>>
      %dma_start3A_90 = tpu.memref_squeeze %dma_start3A_89 : memref<1x1x50x100xi32, #tpu.memory_space<hbm>> -> memref<50x100xi32, #tpu.memory_space<hbm>>
      tpu.enqueue_dma source(%dma_start3A_90 : memref<50x100xi32, #tpu.memory_space<hbm>>) target(%arg6 : memref<50x100xi32, #tpu.memory_space<vmem>>) target_semaphore(%run_scoped3A_82 : memref<!tpu.dma_semaphore, #tpu.memory_space<semaphore_mem>>)
      %dma_wait3A = arith.constant 0 : i32
      %dma_wait3A_91 = arith.constant 0 : i32
      %dma_wait3A_92 = tpu.memref_slice %arg3[%add3A, %run_scoped3A_44, %dma_wait3A, %dma_wait3A_91] : memref<32x2x50x100xi32, #tpu.memory_space<hbm>> -> memref<1x1x50x100xi32, #tpu.memory_space<hbm>>
      %dma_wait3A_93 = tpu.memref_squeeze %dma_wait3A_92 : memref<1x1x50x100xi32, #tpu.memory_space<hbm>> -> memref<50x100xi32, #tpu.memory_space<hbm>>
      %dma_wait3A_94 = arith.constant 0 : i32
      %dma_wait3A_95 = arith.constant 0 : i32
      %dma_wait3A_96 = tpu.memref_slice %arg3[%add3A, %run_scoped3A_44, %dma_wait3A_94, %dma_wait3A_95] : memref<32x2x50x100xi32, #tpu.memory_space<hbm>> -> memref<1x1x50x100xi32, #tpu.memory_space<hbm>>
      %dma_wait3A_97 = tpu.memref_squeeze %dma_wait3A_96 : memref<1x1x50x100xi32, #tpu.memory_space<hbm>> -> memref<50x100xi32, #tpu.memory_space<hbm>>
      tpu.wait_dma2 semaphore(%run_scoped3A_82 : memref<!tpu.dma_semaphore, #tpu.memory_space<semaphore_mem>>) src(%dma_wait3A_97 : memref<50x100xi32, #tpu.memory_space<hbm>>) dst(%arg6 : memref<50x100xi32, #tpu.memory_space<vmem>>)
      tpu.yield
    }) : () -> ()
    %run_scoped3A_45 = arith.constant 1 : i32
    "tpu.region"() ({
      %run_scoped3A_82 = tpu.sem_alloc : memref<!tpu.dma_semaphore, #tpu.memory_space<semaphore_mem>>
      %dma_start3A_83 = arith.constant 0 : i32
      %dma_start3A_84 = arith.constant 0 : i32
      %dma_start3A_85 = tpu.memref_slice %arg4[%add3A, %run_scoped3A_45, %dma_start3A_83, %dma_start3A_84] : memref<32x2x50x100xi32, #tpu.memory_space<hbm>> -> memref<1x1x50x100xi32, #tpu.memory_space<hbm>>
      %dma_start3A_86 = tpu.memref_squeeze %dma_start3A_85 : memref<1x1x50x100xi32, #tpu.memory_space<hbm>> -> memref<50x100xi32, #tpu.memory_space<hbm>>
      %dma_start3A_87 = arith.constant 0 : i32
      %dma_start3A_88 = arith.constant 0 : i32
      %dma_start3A_89 = tpu.memref_slice %arg4[%add3A, %run_scoped3A_45, %dma_start3A_87, %dma_start3A_88] : memref<32x2x50x100xi32, #tpu.memory_space<hbm>> -> memref<1x1x50x100xi32, #tpu.memory_space<hbm>>
      %dma_start3A_90 = tpu.memref_squeeze %dma_start3A_89 : memref<1x1x50x100xi32, #tpu.memory_space<hbm>> -> memref<50x100xi32, #tpu.memory_space<hbm>>
      tpu.enqueue_dma source(%dma_start3A_90 : memref<50x100xi32, #tpu.memory_space<hbm>>) target(%arg7 : memref<50x100xi32, #tpu.memory_space<vmem>>) target_semaphore(%run_scoped3A_82 : memref<!tpu.dma_semaphore, #tpu.memory_space<semaphore_mem>>)
      %dma_wait3A = arith.constant 0 : i32
      %dma_wait3A_91 = arith.constant 0 : i32
      %dma_wait3A_92 = tpu.memref_slice %arg4[%add3A, %run_scoped3A_45, %dma_wait3A, %dma_wait3A_91] : memref<32x2x50x100xi32, #tpu.memory_space<hbm>> -> memref<1x1x50x100xi32, #tpu.memory_space<hbm>>
      %dma_wait3A_93 = tpu.memref_squeeze %dma_wait3A_92 : memref<1x1x50x100xi32, #tpu.memory_space<hbm>> -> memref<50x100xi32, #tpu.memory_space<hbm>>
      %dma_wait3A_94 = arith.constant 0 : i32
      %dma_wait3A_95 = arith.constant 0 : i32
      %dma_wait3A_96 = tpu.memref_slice %arg4[%add3A, %run_scoped3A_45, %dma_wait3A_94, %dma_wait3A_95] : memref<32x2x50x100xi32, #tpu.memory_space<hbm>> -> memref<1x1x50x100xi32, #tpu.memory_space<hbm>>
      %dma_wait3A_97 = tpu.memref_squeeze %dma_wait3A_96 : memref<1x1x50x100xi32, #tpu.memory_space<hbm>> -> memref<50x100xi32, #tpu.memory_space<hbm>>
      tpu.wait_dma2 semaphore(%run_scoped3A_82 : memref<!tpu.dma_semaphore, #tpu.memory_space<semaphore_mem>>) src(%dma_wait3A_97 : memref<50x100xi32, #tpu.memory_space<hbm>>) dst(%arg7 : memref<50x100xi32, #tpu.memory_space<vmem>>)
      tpu.yield
    }) : () -> ()
    %dma_start3A_46 = arith.constant 0 : i32
    %dma_start3A_47 = arith.constant 0 : i32
    %dma_start3A_48 = arith.constant 0 : i32
    %dma_start3A_49 = arith.constant 0 : i32
    %dma_start3A_50 = tpu.memref_slice %arg8[%dma_start3A_47, %dma_start3A_48, %dma_start3A_49] : memref<2x100x128xf32, #tpu.memory_space<vmem>> -> memref<1x100x128xf32, #tpu.memory_space<vmem>>
    %dma_start3A_51 = tpu.memref_squeeze %dma_start3A_50 : memref<1x100x128xf32, #tpu.memory_space<vmem>> -> memref<100x128xf32, #tpu.memory_space<vmem>>
    %dma_start3A_52 = arith.constant 0 : i32
    %dma_start3A_53 = tpu.memref_slice %arg6[%dma_start3A_46, %dma_start3A_52] : memref<50x100xi32, #tpu.memory_space<vmem>> -> memref<1x100xi32, #tpu.memory_space<vmem>>
    %dma_start3A_54 = tpu.memref_squeeze %dma_start3A_53 : memref<1x100xi32, #tpu.memory_space<vmem>> -> memref<100xi32, #tpu.memory_space<vmem>>
    %dma_start3A_55 = arith.constant 0 : i32
    %dma_start3A_56 = arith.constant 0 : i32
    %dma_start3A_57 = tpu.memref_slice %arg2[%dma_start3A_55, %dma_start3A_56] : memref<10000x128xf32, #tpu.memory_space<hbm>> -> memref<10000x128xf32, #tpu.memory_space<hbm>>
    tpu.enqueue_indirect_dma source(%dma_start3A_57 : memref<10000x128xf32, #tpu.memory_space<hbm>>) target(%dma_start3A_51 : memref<100x128xf32, #tpu.memory_space<vmem>>) offsets(%dma_start3A_54 : memref<100xi32, #tpu.memory_space<vmem>>) semaphore(%arg10 : memref<!tpu.dma_semaphore, #tpu.memory_space<semaphore_mem>>)
    %dma_start3A_58 = arith.constant 1 : i32
    %dma_start3A_59 = arith.constant 1 : i32
    %dma_start3A_60 = arith.constant 0 : i32
    %dma_start3A_61 = arith.constant 0 : i32
    %dma_start3A_62 = tpu.memref_slice %arg8[%dma_start3A_59, %dma_start3A_60, %dma_start3A_61] : memref<2x100x128xf32, #tpu.memory_space<vmem>> -> memref<1x100x128xf32, #tpu.memory_space<vmem>>
    %dma_start3A_63 = tpu.memref_squeeze %dma_start3A_62 : memref<1x100x128xf32, #tpu.memory_space<vmem>> -> memref<100x128xf32, #tpu.memory_space<vmem>>
    %dma_start3A_64 = arith.constant 0 : i32
    %dma_start3A_65 = tpu.memref_slice %arg6[%dma_start3A_58, %dma_start3A_64] : memref<50x100xi32, #tpu.memory_space<vmem>> -> memref<1x100xi32, #tpu.memory_space<vmem>>
    %dma_start3A_66 = tpu.memref_squeeze %dma_start3A_65 : memref<1x100xi32, #tpu.memory_space<vmem>> -> memref<100xi32, #tpu.memory_space<vmem>>
    %dma_start3A_67 = arith.constant 0 : i32
    %dma_start3A_68 = arith.constant 0 : i32
    %dma_start3A_69 = tpu.memref_slice %arg2[%dma_start3A_67, %dma_start3A_68] : memref<10000x128xf32, #tpu.memory_space<hbm>> -> memref<10000x128xf32, #tpu.memory_space<hbm>>
    tpu.enqueue_indirect_dma source(%dma_start3A_69 : memref<10000x128xf32, #tpu.memory_space<hbm>>) target(%dma_start3A_63 : memref<100x128xf32, #tpu.memory_space<vmem>>) offsets(%dma_start3A_66 : memref<100xi32, #tpu.memory_space<vmem>>) semaphore(%arg11 : memref<!tpu.dma_semaphore, #tpu.memory_space<semaphore_mem>>)
    %scan3A_70 = arith.constant 0 : i32
    %scan3A_71 = arith.constant 0 : i32
    %scan3A_72 = arith.constant 25 : i32
    %scan3A_73 = arith.addi %scan3A_71, %scan3A_72 : i32
    %scan3A_74 = arith.constant 1 : i32
    scf.for %scan3A_82 = %scan3A_71 to %scan3A_73 step %scan3A_74  : i32 {
      %mul3A_83 = arith.constant 2 : i32
      %mul3A_84 = arith.muli %scan3A_82, %mul3A_83 : i32
      %add3A_85 = arith.constant 0 : i32
      %add3A_86 = arith.addi %mul3A_84, %add3A_85 : i32
      %dma_wait3A = arith.constant 0 : i32
      %dma_wait3A_87 = arith.constant 0 : i32
      %dma_wait3A_88 = arith.constant 0 : i32
      %dma_wait3A_89 = tpu.memref_slice %arg8[%dma_wait3A, %dma_wait3A_87, %dma_wait3A_88] : memref<2x100x128xf32, #tpu.memory_space<vmem>> -> memref<1x100x128xf32, #tpu.memory_space<vmem>>
      %dma_wait3A_90 = tpu.memref_squeeze %dma_wait3A_89 : memref<1x100x128xf32, #tpu.memory_space<vmem>> -> memref<100x128xf32, #tpu.memory_space<vmem>>
      %dma_wait3A_91 = arith.constant 0 : i32
      %dma_wait3A_92 = tpu.memref_slice %arg6[%add3A_86, %dma_wait3A_91] : memref<50x100xi32, #tpu.memory_space<vmem>> -> memref<1x100xi32, #tpu.memory_space<vmem>>
      %dma_wait3A_93 = tpu.memref_squeeze %dma_wait3A_92 : memref<1x100xi32, #tpu.memory_space<vmem>> -> memref<100xi32, #tpu.memory_space<vmem>>
      %dma_wait3A_94 = arith.constant 0 : i32
      %dma_wait3A_95 = arith.constant 0 : i32
      %dma_wait3A_96 = tpu.memref_slice %arg2[%dma_wait3A_94, %dma_wait3A_95] : memref<10000x128xf32, #tpu.memory_space<hbm>> -> memref<10000x128xf32, #tpu.memory_space<hbm>>
      tpu.wait_indirect_dma semaphore(%arg10 : memref<!tpu.dma_semaphore, #tpu.memory_space<semaphore_mem>>) src(%dma_wait3A_96 : memref<10000x128xf32, #tpu.memory_space<hbm>>) dst(%dma_wait3A_90 : memref<100x128xf32, #tpu.memory_space<vmem>>)
      %run_scoped3A_97 = arith.constant 0 : i32
      "tpu.region"() ({
        %run_scoped3A_128 = tpu.sem_alloc : memref<!tpu.dma_semaphore, #tpu.memory_space<semaphore_mem>>
        %dma_start3A_129 = arith.constant 0 : i32
        %dma_start3A_130 = arith.constant 0 : i32
        %dma_start3A_131 = tpu.memref_slice %arg8[%run_scoped3A_97, %dma_start3A_129, %dma_start3A_130] : memref<2x100x128xf32, #tpu.memory_space<vmem>> -> memref<1x100x128xf32, #tpu.memory_space<vmem>>
        %dma_start3A_132 = tpu.memref_squeeze %dma_start3A_131 : memref<1x100x128xf32, #tpu.memory_space<vmem>> -> memref<100x128xf32, #tpu.memory_space<vmem>>
        %dma_start3A_133 = arith.constant 0 : i32
        %dma_start3A_134 = tpu.memref_slice %arg7[%add3A_86, %dma_start3A_133] : memref<50x100xi32, #tpu.memory_space<vmem>> -> memref<1x100xi32, #tpu.memory_space<vmem>>
        %dma_start3A_135 = tpu.memref_squeeze %dma_start3A_134 : memref<1x100xi32, #tpu.memory_space<vmem>> -> memref<100xi32, #tpu.memory_space<vmem>>
        %dma_start3A_136 = arith.constant 0 : i32
        %dma_start3A_137 = arith.constant 0 : i32
        %dma_start3A_138 = tpu.memref_slice %arg9[%dma_start3A_136, %dma_start3A_137] : memref<10000x128xf32, #tpu.memory_space<vmem_shared>> -> memref<10000x128xf32, #tpu.memory_space<vmem_shared>>
        tpu.enqueue_indirect_dma source(%dma_start3A_132 : memref<100x128xf32, #tpu.memory_space<vmem>>) target(%dma_start3A_138 : memref<10000x128xf32, #tpu.memory_space<vmem_shared>>) offsets(%dma_start3A_135 : memref<100xi32, #tpu.memory_space<vmem>>) semaphore(%run_scoped3A_128 : memref<!tpu.dma_semaphore, #tpu.memory_space<semaphore_mem>>) {add = true}
        %dma_wait3A_139 = arith.constant 0 : i32
        %dma_wait3A_140 = arith.constant 0 : i32
        %dma_wait3A_141 = tpu.memref_slice %arg8[%run_scoped3A_97, %dma_wait3A_139, %dma_wait3A_140] : memref<2x100x128xf32, #tpu.memory_space<vmem>> -> memref<1x100x128xf32, #tpu.memory_space<vmem>>
        %dma_wait3A_142 = tpu.memref_squeeze %dma_wait3A_141 : memref<1x100x128xf32, #tpu.memory_space<vmem>> -> memref<100x128xf32, #tpu.memory_space<vmem>>
        %dma_wait3A_143 = arith.constant 0 : i32
        %dma_wait3A_144 = tpu.memref_slice %arg7[%add3A_86, %dma_wait3A_143] : memref<50x100xi32, #tpu.memory_space<vmem>> -> memref<1x100xi32, #tpu.memory_space<vmem>>
        %dma_wait3A_145 = tpu.memref_squeeze %dma_wait3A_144 : memref<1x100xi32, #tpu.memory_space<vmem>> -> memref<100xi32, #tpu.memory_space<vmem>>
        %dma_wait3A_146 = arith.constant 0 : i32
        %dma_wait3A_147 = arith.constant 0 : i32
        %dma_wait3A_148 = tpu.memref_slice %arg9[%dma_wait3A_146, %dma_wait3A_147] : memref<10000x128xf32, #tpu.memory_space<vmem_shared>> -> memref<10000x128xf32, #tpu.memory_space<vmem_shared>>
        tpu.wait_indirect_dma semaphore(%run_scoped3A_128 : memref<!tpu.dma_semaphore, #tpu.memory_space<semaphore_mem>>) src(%dma_wait3A_142 : memref<100x128xf32, #tpu.memory_space<vmem>>) dst(%dma_wait3A_148 : memref<10000x128xf32, #tpu.memory_space<vmem_shared>>)
        tpu.yield
      }) : () -> ()
      %add3A_98 = arith.constant 2 : i32
      %add3A_99 = arith.addi %add3A_86, %add3A_98 : i32
      %lt3A_100 = arith.constant 50 : i32
      %lt3A_101 = arith.cmpi slt, %add3A_99, %lt3A_100 : i32
      %convert_element_type3A_102 = arith.extui %lt3A_101 : i1 to i32
      %cond3A_103 = arith.constant 0 : i32
      %cond3A_104 = arith.cmpi ne, %convert_element_type3A_102, %cond3A_103 : i32
      scf.if %cond3A_104 {
        %add3A_128 = arith.constant 2 : i32
        %add3A_129 = arith.addi %add3A_86, %add3A_128 : i32
        %dma_start3A_130 = arith.constant 0 : i32
        %dma_start3A_131 = arith.constant 0 : i32
        %dma_start3A_132 = arith.constant 0 : i32
        %dma_start3A_133 = tpu.memref_slice %arg8[%dma_start3A_130, %dma_start3A_131, %dma_start3A_132] : memref<2x100x128xf32, #tpu.memory_space<vmem>> -> memref<1x100x128xf32, #tpu.memory_space<vmem>>
        %dma_start3A_134 = tpu.memref_squeeze %dma_start3A_133 : memref<1x100x128xf32, #tpu.memory_space<vmem>> -> memref<100x128xf32, #tpu.memory_space<vmem>>
        %dma_start3A_135 = arith.constant 0 : i32
        %dma_start3A_136 = tpu.memref_slice %arg6[%add3A_129, %dma_start3A_135] : memref<50x100xi32, #tpu.memory_space<vmem>> -> memref<1x100xi32, #tpu.memory_space<vmem>>
        %dma_start3A_137 = tpu.memref_squeeze %dma_start3A_136 : memref<1x100xi32, #tpu.memory_space<vmem>> -> memref<100xi32, #tpu.memory_space<vmem>>
        %dma_start3A_138 = arith.constant 0 : i32
        %dma_start3A_139 = arith.constant 0 : i32
        %dma_start3A_140 = tpu.memref_slice %arg2[%dma_start3A_138, %dma_start3A_139] : memref<10000x128xf32, #tpu.memory_space<hbm>> -> memref<10000x128xf32, #tpu.memory_space<hbm>>
        tpu.enqueue_indirect_dma source(%dma_start3A_140 : memref<10000x128xf32, #tpu.memory_space<hbm>>) target(%dma_start3A_134 : memref<100x128xf32, #tpu.memory_space<vmem>>) offsets(%dma_start3A_137 : memref<100xi32, #tpu.memory_space<vmem>>) semaphore(%arg10 : memref<!tpu.dma_semaphore, #tpu.memory_space<semaphore_mem>>)
      } else {
      }
      %mul3A_105 = arith.constant 2 : i32
      %mul3A_106 = arith.muli %scan3A_82, %mul3A_105 : i32
      %add3A_107 = arith.constant 1 : i32
      %add3A_108 = arith.addi %mul3A_106, %add3A_107 : i32
      %dma_wait3A_109 = arith.constant 1 : i32
      %dma_wait3A_110 = arith.constant 0 : i32
      %dma_wait3A_111 = arith.constant 0 : i32
      %dma_wait3A_112 = tpu.memref_slice %arg8[%dma_wait3A_109, %dma_wait3A_110, %dma_wait3A_111] : memref<2x100x128xf32, #tpu.memory_space<vmem>> -> memref<1x100x128xf32, #tpu.memory_space<vmem>>
      %dma_wait3A_113 = tpu.memref_squeeze %dma_wait3A_112 : memref<1x100x128xf32, #tpu.memory_space<vmem>> -> memref<100x128xf32, #tpu.memory_space<vmem>>
      %dma_wait3A_114 = arith.constant 0 : i32
      %dma_wait3A_115 = tpu.memref_slice %arg6[%add3A_108, %dma_wait3A_114] : memref<50x100xi32, #tpu.memory_space<vmem>> -> memref<1x100xi32, #tpu.memory_space<vmem>>
      %dma_wait3A_116 = tpu.memref_squeeze %dma_wait3A_115 : memref<1x100xi32, #tpu.memory_space<vmem>> -> memref<100xi32, #tpu.memory_space<vmem>>
      %dma_wait3A_117 = arith.constant 0 : i32
      %dma_wait3A_118 = arith.constant 0 : i32
      %dma_wait3A_119 = tpu.memref_slice %arg2[%dma_wait3A_117, %dma_wait3A_118] : memref<10000x128xf32, #tpu.memory_space<hbm>> -> memref<10000x128xf32, #tpu.memory_space<hbm>>
      tpu.wait_indirect_dma semaphore(%arg11 : memref<!tpu.dma_semaphore, #tpu.memory_space<semaphore_mem>>) src(%dma_wait3A_119 : memref<10000x128xf32, #tpu.memory_space<hbm>>) dst(%dma_wait3A_113 : memref<100x128xf32, #tpu.memory_space<vmem>>)
      %run_scoped3A_120 = arith.constant 1 : i32
      "tpu.region"() ({
        %run_scoped3A_128 = tpu.sem_alloc : memref<!tpu.dma_semaphore, #tpu.memory_space<semaphore_mem>>
        %dma_start3A_129 = arith.constant 0 : i32
        %dma_start3A_130 = arith.constant 0 : i32
        %dma_start3A_131 = tpu.memref_slice %arg8[%run_scoped3A_120, %dma_start3A_129, %dma_start3A_130] : memref<2x100x128xf32, #tpu.memory_space<vmem>> -> memref<1x100x128xf32, #tpu.memory_space<vmem>>
        %dma_start3A_132 = tpu.memref_squeeze %dma_start3A_131 : memref<1x100x128xf32, #tpu.memory_space<vmem>> -> memref<100x128xf32, #tpu.memory_space<vmem>>
        %dma_start3A_133 = arith.constant 0 : i32
        %dma_start3A_134 = tpu.memref_slice %arg7[%add3A_108, %dma_start3A_133] : memref<50x100xi32, #tpu.memory_space<vmem>> -> memref<1x100xi32, #tpu.memory_space<vmem>>
        %dma_start3A_135 = tpu.memref_squeeze %dma_start3A_134 : memref<1x100xi32, #tpu.memory_space<vmem>> -> memref<100xi32, #tpu.memory_space<vmem>>
        %dma_start3A_136 = arith.constant 0 : i32
        %dma_start3A_137 = arith.constant 0 : i32
        %dma_start3A_138 = tpu.memref_slice %arg9[%dma_start3A_136, %dma_start3A_137] : memref<10000x128xf32, #tpu.memory_space<vmem_shared>> -> memref<10000x128xf32, #tpu.memory_space<vmem_shared>>
        tpu.enqueue_indirect_dma source(%dma_start3A_132 : memref<100x128xf32, #tpu.memory_space<vmem>>) target(%dma_start3A_138 : memref<10000x128xf32, #tpu.memory_space<vmem_shared>>) offsets(%dma_start3A_135 : memref<100xi32, #tpu.memory_space<vmem>>) semaphore(%run_scoped3A_128 : memref<!tpu.dma_semaphore, #tpu.memory_space<semaphore_mem>>) {add = true}
        %dma_wait3A_139 = arith.constant 0 : i32
        %dma_wait3A_140 = arith.constant 0 : i32
        %dma_wait3A_141 = tpu.memref_slice %arg8[%run_scoped3A_120, %dma_wait3A_139, %dma_wait3A_140] : memref<2x100x128xf32, #tpu.memory_space<vmem>> -> memref<1x100x128xf32, #tpu.memory_space<vmem>>
        %dma_wait3A_142 = tpu.memref_squeeze %dma_wait3A_141 : memref<1x100x128xf32, #tpu.memory_space<vmem>> -> memref<100x128xf32, #tpu.memory_space<vmem>>
        %dma_wait3A_143 = arith.constant 0 : i32
        %dma_wait3A_144 = tpu.memref_slice %arg7[%add3A_108, %dma_wait3A_143] : memref<50x100xi32, #tpu.memory_space<vmem>> -> memref<1x100xi32, #tpu.memory_space<vmem>>
        %dma_wait3A_145 = tpu.memref_squeeze %dma_wait3A_144 : memref<1x100xi32, #tpu.memory_space<vmem>> -> memref<100xi32, #tpu.memory_space<vmem>>
        %dma_wait3A_146 = arith.constant 0 : i32
        %dma_wait3A_147 = arith.constant 0 : i32
        %dma_wait3A_148 = tpu.memref_slice %arg9[%dma_wait3A_146, %dma_wait3A_147] : memref<10000x128xf32, #tpu.memory_space<vmem_shared>> -> memref<10000x128xf32, #tpu.memory_space<vmem_shared>>
        tpu.wait_indirect_dma semaphore(%run_scoped3A_128 : memref<!tpu.dma_semaphore, #tpu.memory_space<semaphore_mem>>) src(%dma_wait3A_142 : memref<100x128xf32, #tpu.memory_space<vmem>>) dst(%dma_wait3A_148 : memref<10000x128xf32, #tpu.memory_space<vmem_shared>>)
        tpu.yield
      }) : () -> ()
      %add3A_121 = arith.constant 2 : i32
      %add3A_122 = arith.addi %add3A_108, %add3A_121 : i32
      %lt3A_123 = arith.constant 50 : i32
      %lt3A_124 = arith.cmpi slt, %add3A_122, %lt3A_123 : i32
      %convert_element_type3A_125 = arith.extui %lt3A_124 : i1 to i32
      %cond3A_126 = arith.constant 0 : i32
      %cond3A_127 = arith.cmpi ne, %convert_element_type3A_125, %cond3A_126 : i32
      scf.if %cond3A_127 {
        %add3A_128 = arith.constant 2 : i32
        %add3A_129 = arith.addi %add3A_108, %add3A_128 : i32
        %dma_start3A_130 = arith.constant 1 : i32
        %dma_start3A_131 = arith.constant 0 : i32
        %dma_start3A_132 = arith.constant 0 : i32
        %dma_start3A_133 = tpu.memref_slice %arg8[%dma_start3A_130, %dma_start3A_131, %dma_start3A_132] : memref<2x100x128xf32, #tpu.memory_space<vmem>> -> memref<1x100x128xf32, #tpu.memory_space<vmem>>
        %dma_start3A_134 = tpu.memref_squeeze %dma_start3A_133 : memref<1x100x128xf32, #tpu.memory_space<vmem>> -> memref<100x128xf32, #tpu.memory_space<vmem>>
        %dma_start3A_135 = arith.constant 0 : i32
        %dma_start3A_136 = tpu.memref_slice %arg6[%add3A_129, %dma_start3A_135] : memref<50x100xi32, #tpu.memory_space<vmem>> -> memref<1x100xi32, #tpu.memory_space<vmem>>
        %dma_start3A_137 = tpu.memref_squeeze %dma_start3A_136 : memref<1x100xi32, #tpu.memory_space<vmem>> -> memref<100xi32, #tpu.memory_space<vmem>>
        %dma_start3A_138 = arith.constant 0 : i32
        %dma_start3A_139 = arith.constant 0 : i32
        %dma_start3A_140 = tpu.memref_slice %arg2[%dma_start3A_138, %dma_start3A_139] : memref<10000x128xf32, #tpu.memory_space<hbm>> -> memref<10000x128xf32, #tpu.memory_space<hbm>>
        tpu.enqueue_indirect_dma source(%dma_start3A_140 : memref<10000x128xf32, #tpu.memory_space<hbm>>) target(%dma_start3A_134 : memref<100x128xf32, #tpu.memory_space<vmem>>) offsets(%dma_start3A_137 : memref<100xi32, #tpu.memory_space<vmem>>) semaphore(%arg11 : memref<!tpu.dma_semaphore, #tpu.memory_space<semaphore_mem>>)
      } else {
      }
    }
    %scan3A_75 = arith.constant 25 : i32
    %barrier3A_76 = arith.constant 0 : index
    tpu.barrier barrier_id(%barrier3A_76)
    %eq3A = arith.constant 0 : i32
    %eq3A_77 = arith.cmpi eq, %arg1, %eq3A : i32
    %convert_element_type3A_78 = arith.extui %eq3A_77 : i1 to i32
    %cond3A_79 = arith.constant 0 : i32
    %cond3A_80 = arith.cmpi ne, %convert_element_type3A_78, %cond3A_79 : i32
    scf.if %cond3A_80 {
      "tpu.region"() ({
        %run_scoped3A_82 = tpu.sem_alloc : memref<!tpu.dma_semaphore, #tpu.memory_space<semaphore_mem>>
        %dma_start3A_83 = arith.constant 0 : i32
        %dma_start3A_84 = arith.constant 0 : i32
        %dma_start3A_85 = tpu.memref_slice %arg5[%arg0, %dma_start3A_83, %dma_start3A_84] : memref<2x10000x128xf32, #tpu.memory_space<hbm>> -> memref<1x10000x128xf32, #tpu.memory_space<hbm>>
        %dma_start3A_86 = tpu.memref_squeeze %dma_start3A_85 : memref<1x10000x128xf32, #tpu.memory_space<hbm>> -> memref<10000x128xf32, #tpu.memory_space<hbm>>
        tpu.enqueue_dma source(%arg9 : memref<10000x128xf32, #tpu.memory_space<vmem_shared>>) target(%dma_start3A_86 : memref<10000x128xf32, #tpu.memory_space<hbm>>) target_semaphore(%run_scoped3A_82 : memref<!tpu.dma_semaphore, #tpu.memory_space<semaphore_mem>>)
        %dma_wait3A = arith.constant 0 : i32
        %dma_wait3A_87 = arith.constant 0 : i32
        %dma_wait3A_88 = tpu.memref_slice %arg5[%arg0, %dma_wait3A, %dma_wait3A_87] : memref<2x10000x128xf32, #tpu.memory_space<hbm>> -> memref<1x10000x128xf32, #tpu.memory_space<hbm>>
        %dma_wait3A_89 = tpu.memref_squeeze %dma_wait3A_88 : memref<1x10000x128xf32, #tpu.memory_space<hbm>> -> memref<10000x128xf32, #tpu.memory_space<hbm>>
        tpu.wait_dma2 semaphore(%run_scoped3A_82 : memref<!tpu.dma_semaphore, #tpu.memory_space<semaphore_mem>>) src(%arg9 : memref<10000x128xf32, #tpu.memory_space<vmem_shared>>) dst(%dma_wait3A_89 : memref<10000x128xf32, #tpu.memory_space<hbm>>)
        tpu.yield
      }) : () -> ()
    } else {
    }
    %barrier3A_81 = arith.constant 0 : index
    tpu.barrier barrier_id(%barrier3A_81)
    return
  }
}

module attributes {stable_mosaic.version = 14 : i64} {
  func.func @body(%arg0: i32, %arg1: memref<1xf32, #tpu.memory_space<smem>>, %arg2: memref<1000x128xf32, #tpu.memory_space<vmem>>, %arg3: memref<1000x128xf32, #tpu.memory_space<vmem>>, %arg4: memref<1000x128xf32, #tpu.memory_space<vmem>>, %arg5: memref<128x128xf32, #tpu.memory_space<vmem>>, %arg6: memref<128x128xf32, #tpu.memory_space<vmem>>, %arg7: memref<128x128xf32, #tpu.memory_space<vmem>>, %arg8: memref<1x128xf32, #tpu.memory_space<vmem>>, %arg9: memref<128x128xf32, #tpu.memory_space<vmem>>, %arg10: memref<1x128xf32, #tpu.memory_space<vmem>>, %arg11: memref<1000x128xf32, #tpu.memory_space<vmem>>) attributes {dimension_semantics = [#tpu.dimension_semantics<arbitrary>], iteration_bounds = array<i64: 10>, scalar_prefetch = 0 : i64, scratch_operands = 0 : i64, tpu.core_type = #tpu.core_type<tc>, window_params = [{transform_indices = @transform_0, window_bounds = array<i64: 1>}, {transform_indices = @transform_1, window_bounds = array<i64: 1000, 128>}, {transform_indices = @transform_2, window_bounds = array<i64: 1000, 128>}, {transform_indices = @transform_3, window_bounds = array<i64: 1000, 128>}, {pipeline_mode = #tpu.pipeline_mode<synchronous>, transform_indices = @transform_4, window_bounds = array<i64: 128, 128>}, {pipeline_mode = #tpu.pipeline_mode<synchronous>, transform_indices = @transform_5, window_bounds = array<i64: 128, 128>}, {pipeline_mode = #tpu.pipeline_mode<synchronous>, transform_indices = @transform_6, window_bounds = array<i64: 128, 128>}, {pipeline_mode = #tpu.pipeline_mode<synchronous>, transform_indices = @transform_7, window_bounds = array<i64: 1, 128>}, {pipeline_mode = #tpu.pipeline_mode<synchronous>, transform_indices = @transform_8, window_bounds = array<i64: 128, 128>}, {pipeline_mode = #tpu.pipeline_mode<synchronous>, transform_indices = @transform_9, window_bounds = array<i64: 1, 128>}, {transform_indices = @transform_10, window_bounds = array<i64: 1000, 128>}]} {
    %get3A = arith.constant 0 : index
    %get3A_0 = arith.constant 0 : index
    %get3A_1 = vector.load %arg3[%get3A, %get3A_0] : memref<1000x128xf32, #tpu.memory_space<vmem>>, vector<1000x128xf32>
    %get3A_2 = arith.constant 0 : index
    %get3A_3 = arith.constant 0 : index
    %get3A_4 = vector.load %arg4[%get3A_2, %get3A_3] : memref<1000x128xf32, #tpu.memory_space<vmem>>, vector<1000x128xf32>
    %add3A = arith.addf %get3A_1, %get3A_4 : vector<1000x128xf32>
    %get3A_5 = arith.constant 0 : index
    %get3A_6 = arith.constant 0 : index
    %get3A_7 = vector.load %arg5[%get3A_5, %get3A_6] : memref<128x128xf32, #tpu.memory_space<vmem>>, vector<128x128xf32>
    %dot_general3A = arith.constant dense<0.000000e+00> : vector<1000x128xf32>
    %dot_general3A_8 = tpu.matmul %add3A, %get3A_7, %dot_general3A {dimension_numbers = #tpu.dot_dimension_numbers<[1], [0], [0], [1], [0, 0, 1, 1], [], []>, transpose_lhs_hint = false} : vector<1000x128xf32>, vector<128x128xf32>, vector<1000x128xf32> -> vector<1000x128xf32>
    %get3A_9 = arith.constant 0 : index
    %get3A_10 = memref.load %arg1[%get3A_9] : memref<1xf32, #tpu.memory_space<smem>>
    %add3A_11 = arith.constant 1.000000e+00 : f32
    %add3A_12 = arith.addf %add3A_11, %get3A_10 : f32
    %get3A_13 = arith.constant 0 : index
    %get3A_14 = arith.constant 0 : index
    %get3A_15 = vector.load %arg2[%get3A_13, %get3A_14] : memref<1000x128xf32, #tpu.memory_space<vmem>>, vector<1000x128xf32>
    %mul3A = vector.broadcast %add3A_12 : f32 to vector<1000x128xf32>
    %mul3A_16 = arith.mulf %mul3A, %get3A_15 : vector<1000x128xf32>
    %get3A_17 = arith.constant 0 : index
    %get3A_18 = arith.constant 0 : index
    %get3A_19 = vector.load %arg6[%get3A_17, %get3A_18] : memref<128x128xf32, #tpu.memory_space<vmem>>, vector<128x128xf32>
    %dot_general3A_20 = arith.constant dense<0.000000e+00> : vector<1000x128xf32>
    %dot_general3A_21 = tpu.matmul %mul3A_16, %get3A_19, %dot_general3A_20 {dimension_numbers = #tpu.dot_dimension_numbers<[1], [0], [0], [1], [0, 0, 1, 1], [], []>, transpose_lhs_hint = false} : vector<1000x128xf32>, vector<128x128xf32>, vector<1000x128xf32> -> vector<1000x128xf32>
    %get3A_22 = arith.constant 0 : index
    %get3A_23 = arith.constant 0 : index
    %get3A_24 = vector.load %arg7[%get3A_22, %get3A_23] : memref<128x128xf32, #tpu.memory_space<vmem>>, vector<128x128xf32>
    %dot_general3A_25 = arith.constant dense<0.000000e+00> : vector<1000x128xf32>
    %dot_general3A_26 = tpu.matmul %dot_general3A_8, %get3A_24, %dot_general3A_25 {dimension_numbers = #tpu.dot_dimension_numbers<[1], [0], [0], [1], [0, 0, 1, 1], [], []>, transpose_lhs_hint = false} : vector<1000x128xf32>, vector<128x128xf32>, vector<1000x128xf32> -> vector<1000x128xf32>
    %add3A_27 = arith.addf %dot_general3A_21, %dot_general3A_26 : vector<1000x128xf32>
    %get3A_28 = arith.constant 0 : index
    %get3A_29 = arith.constant 0 : index
    %get3A_30 = vector.load %arg8[%get3A_28, %get3A_29] : memref<1x128xf32, #tpu.memory_space<vmem>>, vector<1x128xf32>
    %add3A_31 = vector.broadcast %get3A_30 : vector<1x128xf32> to vector<1000x128xf32>
    %add3A_32 = arith.addf %add3A_27, %add3A_31 : vector<1000x128xf32>
    %max3A = arith.constant 0.000000e+00 : f32
    %max3A_33 = vector.broadcast %max3A : f32 to vector<1000x128xf32>
    %max3A_34 = arith.maximumf %add3A_32, %max3A_33 : vector<1000x128xf32>
    %get3A_35 = arith.constant 0 : index
    %get3A_36 = arith.constant 0 : index
    %get3A_37 = vector.load %arg9[%get3A_35, %get3A_36] : memref<128x128xf32, #tpu.memory_space<vmem>>, vector<128x128xf32>
    %dot_general3A_38 = arith.constant dense<0.000000e+00> : vector<1000x128xf32>
    %dot_general3A_39 = tpu.matmul %max3A_34, %get3A_37, %dot_general3A_38 {dimension_numbers = #tpu.dot_dimension_numbers<[1], [0], [0], [1], [0, 0, 1, 1], [], []>, transpose_lhs_hint = false} : vector<1000x128xf32>, vector<128x128xf32>, vector<1000x128xf32> -> vector<1000x128xf32>
    %get3A_40 = arith.constant 0 : index
    %get3A_41 = arith.constant 0 : index
    %get3A_42 = vector.load %arg10[%get3A_40, %get3A_41] : memref<1x128xf32, #tpu.memory_space<vmem>>, vector<1x128xf32>
    %add3A_43 = vector.broadcast %get3A_42 : vector<1x128xf32> to vector<1000x128xf32>
    %add3A_44 = arith.addf %dot_general3A_39, %add3A_43 : vector<1000x128xf32>
    %swap3A = arith.constant 0 : index
    %swap3A_45 = arith.constant 0 : index
    %swap3A_46 = vector.load %arg11[%swap3A, %swap3A_45] : memref<1000x128xf32, #tpu.memory_space<vmem>>, vector<1000x128xf32>
    tpu.vector_store %arg11[%swap3A, %swap3A_45], %add3A_44 {strides = array<i32>} : memref<1000x128xf32, #tpu.memory_space<vmem>>, vector<1000x128xf32>,
    return
  }
  func.func @transform_0(%arg0: i32) -> i32 {
    %c0_i32 = arith.constant 0 : i32
    %c0_i32_0 = arith.constant 0 : i32
    return %c0_i32 : i32
  }
  func.func @transform_1(%arg0: i32) -> (i32, i32) {
    %c0_i32 = arith.constant 0 : i32
    %c0_i32_0 = arith.constant 0 : i32
    return %arg0, %c0_i32 : i32, i32
  }
  func.func @transform_2(%arg0: i32) -> (i32, i32) {
    %c0_i32 = arith.constant 0 : i32
    %c0_i32_0 = arith.constant 0 : i32
    return %arg0, %c0_i32 : i32, i32
  }
  func.func @transform_3(%arg0: i32) -> (i32, i32) {
    %c0_i32 = arith.constant 0 : i32
    %c0_i32_0 = arith.constant 0 : i32
    return %arg0, %c0_i32 : i32, i32
  }
  func.func @transform_4(%arg0: i32) -> (i32, i32) {
    %c0_i32 = arith.constant 0 : i32
    %c0_i32_0 = arith.constant 0 : i32
    %c0_i32_1 = arith.constant 0 : i32
    return %c0_i32, %c0_i32_0 : i32, i32
  }
  func.func @transform_5(%arg0: i32) -> (i32, i32) {
    %c0_i32 = arith.constant 0 : i32
    %c0_i32_0 = arith.constant 0 : i32
    %c0_i32_1 = arith.constant 0 : i32
    return %c0_i32, %c0_i32_0 : i32, i32
  }
  func.func @transform_6(%arg0: i32) -> (i32, i32) {
    %c0_i32 = arith.constant 0 : i32
    %c0_i32_0 = arith.constant 0 : i32
    %c0_i32_1 = arith.constant 0 : i32
    return %c0_i32, %c0_i32_0 : i32, i32
  }
  func.func @transform_7(%arg0: i32) -> (i32, i32) {
    %c0_i32 = arith.constant 0 : i32
    %c0_i32_0 = arith.constant 0 : i32
    %c0_i32_1 = arith.constant 0 : i32
    return %c0_i32, %c0_i32_0 : i32, i32
  }
  func.func @transform_8(%arg0: i32) -> (i32, i32) {
    %c0_i32 = arith.constant 0 : i32
    %c0_i32_0 = arith.constant 0 : i32
    %c0_i32_1 = arith.constant 0 : i32
    return %c0_i32, %c0_i32_0 : i32, i32
  }
  func.func @transform_9(%arg0: i32) -> (i32, i32) {
    %c0_i32 = arith.constant 0 : i32
    %c0_i32_0 = arith.constant 0 : i32
    %c0_i32_1 = arith.constant 0 : i32
    return %c0_i32, %c0_i32_0 : i32, i32
  }
  func.func @transform_10(%arg0: i32) -> (i32, i32) {
    %c0_i32 = arith.constant 0 : i32
    %c0_i32_0 = arith.constant 0 : i32
    return %arg0, %c0_i32 : i32, i32
  }
}

</mosaic_0001>

<sc_bundles>
// kernel: kernel.6.cloned.1.call-start
scs
__scs_entry_jumppad:
0x0: {  	(pc) =	sbr.rel $0x88, $3  }
0x1: {  	(tag) =	ssettag $0x0;
	lr =	simm.s32 $0x1  }
0x2: {  	[smem:$0x3F91] =	sst lr;
	_ =	strace $0xD0000000  }
0x3: {  	_ = 	snop  }
0x4: {  	_ = 	snop  }
0x5: {  	_ = 	snop  }
0x6: {  	_ = 	snop  }
0x7: {  	_ = 	snop  }
__scs_overlays_trampoline_lowered:
0x8: {  	[smem:$0x3FA0] =	sst s0  }
0x9: {  	[smem:$0x3FA1] =	sst s1  }
0xa: {  	[smem:$0x3FA2] =	sst s2  }
0xb: {  	[smem:$0x3FA3] =	sst s3  }
0xc: {  	[smem:$0x3FA4] =	sst s4  }
0xd: {  	[smem:$0x3FA5] =	sst s5  }
0xe: {  	[smem:$0x3FA6] =	sst s6  }
0xf: {  	[smem:$0x3FA7] =	sst s7  }
0x10: {  	[smem:$0x3FA8] =	sst s8  }
0x11: {  	[smem:$0x3FA9] =	sst s9;
	s0 =	simm.s32 @!p0 $0x0  }
0x12: {  	s1 =	sld [smem:$0x3F8F];
	s0 =	simm.s32 @p0 $0x1  }
0x13: {  	[smem:$0x3FAA] =	sst s0;
	s0 =	simm.s32 @!p1 $0x0  }
0x14: {  	s2 =	sld [smem:$0x3F8E];
	s0 =	simm.s32 @p1 $0x1  }
0x15: {  	[smem:$0x3FAB] =	sst s0;
	s0 =	simm.s32 @!p2 $0x0  }
0x16: {  	s3 =	sld [smem:$0x3FDB];
	s0 =	simm.s32 @p2 $0x1  }
0x17: {  	s4 =	simm.s32 $0x1BF5;
	[smem:$0x3FAD] =	sst s0  }
0x18: {  	s0 =	sld [smem:$0x3F90];
	_ =	swait.ge [sflag:s4], $0x0  }
0x19: {  	s7 =	sld [smem:$0x3F91]  }
0x1a: {  	s8 =	sadd.s32 $0xFFFFE003, lr  }
0x1b: {  	s9 =	sadd.s32 $0xFFFFFEF7, lr;
	s5 =	simm.s32 $0xFFFFFFFF;
	p2 =	slt.u32 s8, $0xFFFFF086  }
0x1c: {  	p1 =	slt.u32 s9, $0xF7A;
	s5 =	simm.s32 @!p2 $0x0  }
0x1d: {  	s5 =	simm.s32 @p1 $0x1;
	p0 =	seq.s32 s7, s2  }
0x1e: {  	s7 =	smul.u32 @!p0 $0xF7A, s2;
	p2 =	seq.s32 @!p0 s5, $0x0  }
0x1f: {  	s9 =	smul.u32 $0xF7A, s1;
	s8 =	simm.s32 @!p0 $0x1BF5;
	p2 =	por !p2, p0  }
0x20: {  	[sflag:s8] =	ssyncset.s32 @!p0 $0xFFFFF086;
	s6 =	sadd.s32 @!p0 s3, s7;
	s7 =	simm.s32 @!p0 $0x108  }
0x21: {  	s3 =	sadd.s32 s3, s9;
	s6 =	sadd.s32 @!p0 $0x88, s6;
	s7 =	simm.s32 @p2 $0x1082  }
0x22: {  	[simem:s7], [sflag:s8] =	dma.local @!p0 [hbm:s6], $0xF7A  }
0x23: {  	s9 =	sor.u32 $0xD0000000, s2;
	s6 =	simm.s32 $0x108;
	_ =	swait.ge @!p0 [sflag:s8], $0x0  }
0x24: {  	s3 =	sadd.s32 $0x88, s3;
	s6 =	simm.s32 @!p1 $0x1082;
	[sflag:s4] =	ssyncset.s32 $0xFFFFF086  }
0x25: {  	[simem:s6], [sflag:s4] =	dma.local [hbm:s3], $0xF7A  }
0x26: {  	[smem:$0x3F91] =	sst s1;
	(tag) =	ssettag s2;
	_ =	strace s9  }
0x27: {  	s1 =	sld [smem:$0x3FA1]  }
0x28: {  	s2 =	sld [smem:$0x3FA2]  }
0x29: {  	s4 =	sld [smem:$0x3FA4]  }
0x2a: {  	p0 =	seq.s32 s5, $0x0;
	s5 =	sld [smem:$0x3FA5]  }
0x2b: {  	s6 =	sld [smem:$0x3FA6]  }
0x2c: {  	s7 =	sld [smem:$0x3FA7]  }
0x2d: {  	s3 =	simm.s32 $0x108;
	s8 =	sld [smem:$0x3FA8]  }
0x2e: {  	s3 =	simm.s32 @!p0 $0x1082;
	s9 =	sld [smem:$0x3FA9]  }
0x2f: {  	lr =	sadd.s32 s0, s3;
	s0 =	sld [smem:$0x3FA0]  }
0x30: {  	s3 =	sld [smem:$0x3FA3]  }
0x31: {  	[smem:$0x3FAC] =	sst s10  }
0x32: {  	s10 =	sld [smem:$0x3FAA];
	_ =	sdelay $0x3  }
0x33: {  	p0 =	seq.s32 s10, $0x1;
	s10 =	sld [smem:$0x3FAC];
	_ =	sdelay $0x3  }
0x34: {  	[smem:$0x3FAC] =	sst s10  }
0x35: {  	s10 =	sld [smem:$0x3FAB];
	_ =	sdelay $0x3  }
0x36: {  	p1 =	seq.s32 s10, $0x1;
	s10 =	sld [smem:$0x3FAC];
	_ =	sdelay $0x3  }
0x37: {  	[smem:$0x3FAC] =	sst s10  }
0x38: {  	s10 =	sld [smem:$0x3FAD]  }
0x39: {  	_ = 	snop;
	(pc) =	sbr.ind lr, $3  }
0x3a: {  	_ = 	snop  }
0x3b: {  	_ = 	snop  }
0x3c: {  	p2 =	seq.s32 s10, $0x1;
	s10 =	sld [smem:$0x3FAC]  }
0x3d: {  	_ =	shalt  }
0x3e: {  	_ =	shalt  }
0x3f: {  	_ =	shalt  }
0x40: {  	_ =	shalt  }
0x41: {  	_ =	shalt  }
0x42: {  	_ =	shalt  }
0x43: {  	_ =	shalt  }
0x44: {  	_ =	shalt  }
0x45: {  	_ =	shalt  }
0x46: {  	_ =	shalt  }
0x47: {  	_ =	shalt  }
0x48: {  	_ =	shalt  }
0x49: {  	_ =	shalt  }
0x4a: {  	_ =	shalt  }
0x4b: {  	_ =	shalt  }
0x4c: {  	_ =	shalt  }
0x4d: {  	_ =	shalt  }
0x4e: {  	_ =	shalt  }
0x4f: {  	_ =	shalt  }
0x50: {  	_ =	shalt  }
0x51: {  	_ =	shalt  }
0x52: {  	_ =	shalt  }
0x53: {  	_ =	shalt  }
0x54: {  	_ =	shalt  }
0x55: {  	_ =	shalt  }
0x56: {  	_ =	shalt  }
0x57: {  	_ =	shalt  }
0x58: {  	_ =	shalt  }
0x59: {  	_ =	shalt  }
0x5a: {  	_ =	shalt  }
0x5b: {  	_ =	shalt  }
0x5c: {  	_ =	shalt  }
0x5d: {  	_ =	shalt  }
0x5e: {  	_ =	shalt  }
0x5f: {  	_ =	shalt  }
0x60: {  	_ =	shalt  }
0x61: {  	_ =	shalt  }
0x62: {  	_ =	shalt  }
0x63: {  	_ =	shalt  }
0x64: {  	_ =	shalt  }
0x65: {  	_ =	shalt  }
0x66: {  	_ =	shalt  }
0x67: {  	_ =	shalt  }
0x68: {  	_ =	shalt  }
0x69: {  	_ =	shalt  }
0x6a: {  	_ =	shalt  }
0x6b: {  	_ =	shalt  }
0x6c: {  	_ =	shalt  }
0x6d: {  	_ =	shalt  }
0x6e: {  	_ =	shalt  }
0x6f: {  	_ =	shalt  }
0x70: {  	_ =	shalt  }
0x71: {  	_ =	shalt  }
0x72: {  	_ =	shalt  }
0x73: {  	_ =	shalt  }
0x74: {  	_ =	shalt  }
0x75: {  	_ =	shalt  }
0x76: {  	_ =	shalt  }
0x77: {  	_ =	shalt  }
0x78: {  	_ =	shalt  }
0x79: {  	_ =	shalt  }
0x7a: {  	_ =	shalt  }
0x7b: {  	_ =	shalt  }
0x7c: {  	_ =	shalt  }
0x7d: {  	_ =	shalt  }
0x7e: {  	_ =	shalt  }
0x7f: {  	_ =	shalt  }
0x80: {  	_ =	shalt  }
0x81: {  	_ =	shalt  }
0x82: {  	_ =	shalt  }
0x83: {  	_ =	shalt  }
0x84: {  	_ =	shalt  }
0x85: {  	_ =	shalt  }
0x86: {  	_ =	shalt  }
0x87: {  	_ =	shalt  }
.Lfunc_end0:
.L_simem_size_0:
called_computation_lowered:
.L_overlay_start_0:
0x88: {  	s2 =	sld [smem:$0x3FD9]  }
0x89: {  	s3 =	sld [smem:$0x3FFE];
	_ =	sdelay $0x1  }
0x8a: {  	s1 =	srdreg.scid  }
0x8b: {  	s0 =	sand.u32 $0x1, s1  }
0x8c: {  	s14 =	sshll.u32 s0, $0xA;
	s2 =	sadd.s32 s3, s2  }
0x8d: {  	s2 =	sadd.s32 s2, s14  }
0x8e: {  	[smem:$0x3FB8] =	sst s2  }
0x8f: {  	_ = 	snop  }
0x90: {  	s2 =	sld [smem:$0x3FD0];
	_ =	sdelay $0x2  }
0x91: {  	s4 =	simm.s32 $0xB;
	s5 =	simm.s32 $0x10;
	s15 =	sld [smem:$0x3FC9]  }
0x92: {  	[smem:s5], [sflag:s4] =	dma.local [hbm:s2], $0x1  }
0x93: {  	_ =	swait.eq [sflag:s4], $0x1  }
0x94: {  	[sflag:s4] =	ssyncset.done $0x0  }
0x95: {  	[sflag:s4] =	ssyncadd.s32 $0xFFFFFFFF  }
0x96: {  	s16 =	sld [smem:$0x11];
	(tm) =	ssettm $0x1  }
0x97: {  	s17 =	sld [smem:$0x3FFB];
	_ =	sdelay $0x3  }
0x98: {  	_ =	strace s17  }
0x99: {  	s4 =	sld [smem:$0x3FFC];
	_ =	sdelay $0x3  }
0x9a: {  	_ =	strace s4  }
0x9b: {  	s4 =	sld [smem:$0x3FFD];
	_ =	sdelay $0x3  }
0x9c: {  	_ =	strace s4  }
0x9d: {  	_ =	strace $0x8FFFFFFF  }
0x9e: {  	s18 =	sld [smem:$0x3FDB];
	_ =	sdelay $0x1  }
0x9f: {  	s19 =	simm.s32 $_scs_section_size  }
0xa0: {  	s6 =	simm.s32 $_size__tile_overlayer_lowered;
	s7 =	simm.s32 $_tile_overlayer_lowered  }
0xa1: {  	s22 =	simm.s32 $0x1BFF;
	s21 =	sshll.u32 s7, $0x1;
	s4 =	sadd.s32 s19, s18  }
0xa2: {  	s8 =	simm.s32 $0x0;
	s20 =	sshll.u32 s6, $0x1;
	s6 =	sadd.s32 s21, s4  }
0xa3: {  	[timem:s8], [sflag:s22] =	dma.local [hbm:s6], s20  }
0xa4: {  	_ =	swait.ge [sflag:s22], s20  }
0xa5: {  	s5 =	ssub.s32 $0x0, s20;
	[sflag:s22] =	ssyncset.done $0x0  }
0xa6: {  	[sflag:s22] =	ssyncadd.s32 s5;
	_ =	sdelay $0x1  }
0xa7: {  	s23 =	simm.s32 $0x1B8B  }
0xa8: {  	_ =	swait.ge [sflag:s23], $0x1  }
0xa9: {  	[sflag:s23] =	ssyncset.done $0x0  }
0xaa: {  	s25 =	simm.s32 $0x1B8E;
	s24 =	sld [smem:$0x3FFE];
	[sflag:s23] =	ssyncadd.s32 $0xFFFFFFFF  }
0xab: {  	s26 =	simm.s32 $execute0_lowered;
	[smem:$0x3FD2] =	sst s25  }
0xac: {  	s6 =	sshll.u32 s26, $0x1;
	_ =	strace $0x80000046;
	[dreg:$0x1] =	wrdreg $0xFFFFFFFF  }
0xad: {  	s28 =	simm.s32 $_size_execute0_lowered;
	s4 =	sadd.s32 s4, s6;
	[dreg:$0x0] =	wrdreg $0x0  }
0xae: {  	s6 =	sshll.u32 s28, $0x1;
	[dreg:$0x2] =	wrdreg s4  }
0xaf: {  	[dreg:$0x3] =	wrdreg s6  }
0xb0: {  	[dreg:$0x4] =	wrdreg $0xC0  }
0xb1: {  	_ =	task [dreg:s8], $0x5FFFF  }
0xb2: {  	[dreg:$0x1] =	wrdreg $0xFFFFFFFF  }
0xb3: {  	[dreg:$0x0] =	wrdreg $0x60  }
0xb4: {  	[dreg:$0x2] =	wrdreg s15  }
0xb5: {  	[dreg:$0x3] =	wrdreg s16  }
0xb6: {  	[dreg:$0x4] =	wrdreg s24  }
0xb7: {  	[dreg:$0x5] =	wrdreg $0xA0000  }
0xb8: {  	[dreg:$0x6] =	wrdreg $0x9  }
0xb9: {  	_ =	task.clear_ibuf [dreg:s8], $0x7FFFF;
	_ =	strace $0x90000046  }
0xba: {  	s29 =	simm.s32 $0x9;
	_ =	strace $0x80000048  }
0xbb: {  	_ =	swait.ge [sflag:s29], $0x1  }
0xbc: {  	[sflag:s29] =	ssyncadd.s32 $0xFFFFFFFF  }
0xbd: {  	_ =	strace $0x90000048  }
0xbe: {  	_ =	sfence  }
0xbf: {  	s30 =	sld [smem:$0x0];
	_ =	sdelay $0x2  }
0xc0: {  	s31 =	sshll.u32 s1, $0xD;
	s1 =	sshrl.u32 s1, $0x2  }
0xc1: {  	s3 =	sand.u32 $0x4000, s31;
	s1 =	sadd.s32 s1, s30  }
0xc2: {  	s0 =	sor.u32 s3, s0;
	s1 =	sshll.u32 s1, $0x11  }
0xc3: {  	s0 =	sor.u32 s1, s0  }
0xc4: {  	s0 =	sadd.s32 $0x8F2B, s0  }
0xc5: {  	[sflag:s0] =	ssyncadd.remote.s32 $0x1  }
0xc6: {  	_ =	sfence.sel $0xFFFF  }
0xc7: {  	[dreg:$0x0] =	wrdreg $0xFFFFFFFF;
	(pc) =	sbr.abs _section_cstart, $3  }
0xc8: {  	[dreg:$0x1] =	wrdreg $0xFFFFFFFF  }
0xc9: {  	_ =	task.clear_ibuf [dreg:s8], $0x2FFFF;
	_ =	strace $0x9FFFFFFF  }
0xca: {  	(tm) =	ssettm $0x7FFFFFFF  }
0xcb: {  	_ =	shalt  }
tec
execute0_lowered:
.L_overlay_start_1:
0x0: {  	(tag) =	ssettag $0x1  }
0x1: {  	s1 =	rddreg [dreg:$0x0]  }
0x2: {  	s8 =	rddreg [dreg:$0x1]  }
0x3: {  	s4 =	rddreg [dreg:$0x2]  }
0x4: {  	s2 =	rddreg [dreg:$0x3];
	s3 =	srdreg.scid  }
0x5: {  	s0 =	rddreg [dreg:$0x4];
	s25 =	stileid.u32;
	s18 =	simm.s32 $0x3800  }
0x6: {  	s19 =	simm.s32 $0x3;
	s20 =	simm.s32 $0x1C00;
	s21 =	simm.s32 $0x64  }
0x7: {  	s22 =	simm.s32 $0x80;
	s23 =	simm.s32 $0x6C00;
	s24 =	simm.s32 $0x1  }
0x8: {  	s26 =	simm.s32 $0x3400;
	s28 =	simm.s32 $0x3480;
	s5 =	sand.u32 $0x1, s3  }
0x9: {  	s3 =	simm.s32 $0x0;
	s7 =	sshll.u32 s25, $0x1;
	s9 =	smul.u32 $0xA000, s25  }
0xa: {  	s10 =	sadd.s32 $0x2400, s4;
	p0 =	sgt.u32 s25, $0xC;
	p1 =	sne.s32 s25, $0x0  }
0xb: {  	s25 =	simm.s32 $0x2;
	s6 =	smul.u32 $0x27100, s5;
	[smem:$0x7FF] =	sst s3  }
0xc: {  	s7 =	sor.u32 s5, s7;
	s5 =	ssub.s32 $0x2, s5;
	_ =	strace $0x80000047  }
0xd: {  	s7 =	smul.u32 $0x3800, s7;
	s29 =	sshrl.u32 s9, $0x2;
	s30 =	sshrl.u32 s5, $0x1  }
0xe: {  	s11 =	sadd.s32 s6, s4;
	s4 =	sadd.s32 s29, s2;
	s12 =	ssub.s32 s5, s30  }
0xf: {  	s7 =	sshrl.u32 s7, $0x3;
	s5 =	sadd.s32 $0x118000, s4;
	s13 =	sadd.s32 $0x50000, s4  }
0x10: {  	s14 =	sadd.s32 $0x78000, s4;
	s15 =	sadd.s32 $0xA0000, s4;
	s16 =	sadd.s32 $0xC8000, s4  }
0x11: {  	s17 =	sadd.s32 $0xF0000, s4;
	s31 =	sadd.s32 $0x380, s7;
	s6 =	sadd.s32 s8, s7  }
0x12: {  	s7 =	sadd.s32 s10, s7;
	s8 =	sadd.s32 s8, s31;
	s9 =	sadd.s32 s10, s31  }
0x13: {  	v0 =	vimm.f32 $0.0e+00;
	s10 =	sadd.s32 $0x10400, s11;
	s11 =	smax.u32 s12, $0x1;
	s12 =	sadd.s32 $0x28000, s4  }
.LBB2_1:
0x14: {  	s29 =	simm.s32 $0x70;
	s30 =	simm.s32 $0x3C0  }
.LBB2_2:
0x15: {  	p2 =	sne.s32 s30, $0x9FC0;
	[tilespmem:s29+$0x3800] =	vst v0  }
0x16: {  	[tilespmem:s29+$0x3790] =	vst v0  }
0x17: {  	[tilespmem:s29+$0x37A0] =	vst v0  }
.Ltmp0:
0x18: {  	[tilespmem:s29+$0x37B0] =	vst v0;
	(pc) =	sbr.rel @p2 .LBB2_2-.Ltmp0, $4  }
0x19: {  	[tilespmem:s29+$0x37C0] =	vst v0  }
0x1a: {  	[tilespmem:s29+$0x37D0] =	vst v0  }
0x1b: {  	[tilespmem:s29+$0x37E0] =	vst v0  }
0x1c: {  	[tilespmem:s29+$0x37F0] =	vst v0;
	s29 =	sshra.s32 s30, $0x2;
	s30 =	sadd.s32 $0x200, s30  }
0x1d: {  	[tilespmem:s29+$0x3800] =	vst v0  }
0x1e: {  	[tilespmem:s29+$0x3790] =	vst v0  }
0x1f: {  	[tilespmem:s29+$0x37A0] =	vst v0  }
0x20: {  	[tilespmem:s29+$0x37B0] =	vst v0  }
0x21: {  	[tilespmem:s29+$0x37C0] =	vst v0  }
0x22: {  	[tilespmem:s29+$0x37D0] =	vst v0  }
0x23: {  	[tilespmem:s29+$0x37E0] =	vst v0  }
0x24: {  	[tilespmem:s29+$0x37F0] =	vst v0  }
0x25: {  	[spmem:s4] =	stream.linear.scatter [tilespmem:s18], [sflag:$0x3], $0x2800, $0x38;
	[tilespmem:$0x1D880] =	vst v63  }
0x26: {  	_ =	swait.ge [sflag:s19], $0x2800  }
0x27: {  	[sflag:s19] =	ssyncset.done $0x0  }
0x28: {  	[sflag:s19] =	ssyncadd.s32 $0xFFFFD800  }
0x29: {  	[spmem:s12] =	stream.linear.scatter [tilespmem:s18], [sflag:$0x3], $0x2800, $0x38;
	[tilespmem:$0x1D880] =	vst v63  }
0x2a: {  	_ =	swait.ge [sflag:s19], $0x2800  }
0x2b: {  	[sflag:s19] =	ssyncset.done $0x0  }
0x2c: {  	[sflag:s19] =	ssyncadd.s32 $0xFFFFD800  }
0x2d: {  	[spmem:s13] =	stream.linear.scatter [tilespmem:s18], [sflag:$0x3], $0x2800, $0x38;
	[tilespmem:$0x1D880] =	vst v63  }
0x2e: {  	_ =	swait.ge [sflag:s19], $0x2800  }
0x2f: {  	[sflag:s19] =	ssyncset.done $0x0  }
0x30: {  	[sflag:s19] =	ssyncadd.s32 $0xFFFFD800  }
0x31: {  	[spmem:s14] =	stream.linear.scatter [tilespmem:s18], [sflag:$0x3], $0x2800, $0x38;
	[tilespmem:$0x1D880] =	vst v63  }
0x32: {  	_ =	swait.ge [sflag:s19], $0x2800  }
0x33: {  	[sflag:s19] =	ssyncset.done $0x0  }
0x34: {  	[sflag:s19] =	ssyncadd.s32 $0xFFFFD800  }
0x35: {  	[spmem:s15] =	stream.linear.scatter [tilespmem:s18], [sflag:$0x3], $0x2800, $0x38;
	[tilespmem:$0x1D880] =	vst v63  }
0x36: {  	_ =	swait.ge [sflag:s19], $0x2800  }
0x37: {  	[sflag:s19] =	ssyncset.done $0x0  }
0x38: {  	[sflag:s19] =	ssyncadd.s32 $0xFFFFD800  }
0x39: {  	[spmem:s16] =	stream.linear.scatter [tilespmem:s18], [sflag:$0x3], $0x2800, $0x38;
	[tilespmem:$0x1D880] =	vst v63  }
0x3a: {  	_ =	swait.ge [sflag:s19], $0x2800  }
0x3b: {  	[sflag:s19] =	ssyncset.done $0x0  }
0x3c: {  	[sflag:s19] =	ssyncadd.s32 $0xFFFFD800  }
0x3d: {  	[spmem:s17] =	stream.linear.scatter [tilespmem:s18], [sflag:$0x3], $0x2800, $0x38;
	[tilespmem:$0x1D880] =	vst v63  }
0x3e: {  	_ =	swait.ge [sflag:s19], $0x2800  }
0x3f: {  	[sflag:s19] =	ssyncset.done $0x0  }
0x40: {  	s29 =	simm.s32 @!p0 $0x3800;
	[sflag:s19] =	ssyncadd.s32 $0xFFFFD800  }
0x41: {  	[spmem:s5] =	stream.linear.scatter @!p0 [tilespmem:s29], [sflag:$0x3], $0x2800, $0x38;
	[tilespmem:$0x1D880] =	vst v63  }
0x42: {  	s29 =	simm.s32 @!p0 $0x3  }
0x43: {  	_ =	swait.ge @!p0 [sflag:s29], $0x2800  }
0x44: {  	[sflag:s29] =	ssyncset.done @!p0 $0x0  }
0x45: {  	[sflag:s29] =	ssyncadd.s32 @!p0 $0xFFFFD800  }
0x46: {  	s29 =	simm.s32 $0x0;
	[bflag:$0x0] =	sbarrier.arrive $0xFFFF  }
0x47: {  	[tilespmem:s29], [sflag:$0x3] =	stream.linear.gather [hbm4b:s6+s29], $0x1900, $0x38;
	[tilespmem:$0x1D880] =	vst v63  }
0x48: {  	_ =	swait.ge [sflag:s19], $0x1900  }
0x49: {  	[sflag:s19] =	ssyncset.done $0x0  }
0x4a: {  	[sflag:s19] =	ssyncadd.s32 $0xFFFFE700  }
0x4b: {  	[tilespmem:s20], [sflag:$0x3] =	stream.linear.gather [hbm4b:s7+s29], $0x1900, $0x38;
	[tilespmem:$0x1D880] =	vst v63  }
0x4c: {  	_ =	swait.ge [sflag:s19], $0x1900  }
0x4d: {  	[sflag:s19] =	ssyncset.done $0x0  }
0x4e: {  	[sflag:s19] =	ssyncadd.s32 $0xFFFFE700  }
0x4f: {  	[tilespmem:s18], [sflag:$0x1] =	stream.indirect.gather [hbm4b:s1+s21], $0x80, s29, s21, $0xb8;
	[tilespmem:$0x1D880] =	vst v63  }
0x50: {  	_ = 	snop  }
0x51: {  	[tilespmem:s23], [sflag:$0x2] =	stream.indirect.gather [hbm4b:s1+s21], $0x80, s22, s21, $0xb8;
	[tilespmem:$0x1D880] =	vst v63  }
0x52: {  	_ =	swait.ge [sflag:s24], $0x3200  }
0x53: {  	[sflag:s24] =	ssyncset.done $0x0  }
0x54: {  	s29 =	simm.s32 $0x1C00;
	[sflag:s24] =	ssyncadd.s32 $0xFFFFCE00  }
0x55: {  	[spmem:s2] =	stream.indirect.scatter.add.f32 [tilespmem:s18], [sflag:$0x3], $0x80, s29, s21, $0xb8;
	[tilespmem:$0x1D880] =	vst v63  }
0x56: {  	_ =	swait.ge [sflag:s19], $0x3200  }
0x57: {  	[sflag:s19] =	ssyncset.done $0x0  }
0x58: {  	s29 =	simm.s32 $0x100;
	[sflag:s19] =	ssyncadd.s32 $0xFFFFCE00  }
0x59: {  	[tilespmem:s18], [sflag:$0x1] =	stream.indirect.gather [hbm4b:s1+s21], $0x80, s29, s21, $0xb8;
	[tilespmem:$0x1D880] =	vst v63  }
0x5a: {  	_ =	swait.ge [sflag:s25], $0x3200  }
0x5b: {  	[sflag:s25] =	ssyncset.done $0x0  }
0x5c: {  	s29 =	simm.s32 $0x1C80;
	[sflag:s25] =	ssyncadd.s32 $0xFFFFCE00  }
0x5d: {  	[spmem:s2] =	stream.indirect.scatter.add.f32 [tilespmem:s23], [sflag:$0x3], $0x80, s29, s21, $0xb8;
	[tilespmem:$0x1D880] =	vst v63  }
0x5e: {  	_ =	swait.ge [sflag:s19], $0x3200  }
0x5f: {  	[sflag:s19] =	ssyncset.done $0x0  }
0x60: {  	s30 =	simm.s32 $0x180;
	s29 =	simm.s32 $0x400;
	[sflag:s19] =	ssyncadd.s32 $0xFFFFCE00  }
.LBB2_4:
0x61: {  	[tilespmem:s23], [sflag:$0x2] =	stream.indirect.gather [hbm4b:s1+s21], $0x80, s30, s21, $0xb8;
	[tilespmem:$0x1D880] =	vst v63  }
0x62: {  	s30 =	smov.u32 s29  }
0x63: {  	p2 =	sne.s32 s29, $0x5C00;
	s29 =	sadd.s32 $0x400, s29;
	_ =	swait.ge [sflag:s24], $0x3200  }
0x64: {  	s30 =	sshra.s32 s30, $0x2;
	[sflag:s24] =	ssyncset.done $0x0  }
0x65: {  	s31 =	sadd.s32 $0x1C00, s30;
	[sflag:s24] =	ssyncadd.s32 $0xFFFFCE00  }
0x66: {  	[spmem:s2] =	stream.indirect.scatter.add.f32 [tilespmem:s18], [sflag:$0x3], $0x80, s31, s21, $0xb8;
	[tilespmem:$0x1D880] =	vst v63  }
0x67: {  	_ =	swait.ge [sflag:s19], $0x3200  }
0x68: {  	[sflag:s19] =	ssyncset.done $0x0  }
0x69: {  	s31 =	sadd.s32 $0x100, s30;
	[sflag:s19] =	ssyncadd.s32 $0xFFFFCE00  }
0x6a: {  	[tilespmem:s18], [sflag:$0x1] =	stream.indirect.gather [hbm4b:s1+s21], $0x80, s31, s21, $0xb8;
	[tilespmem:$0x1D880] =	vst v63  }
0x6b: {  	_ =	swait.ge [sflag:s25], $0x3200  }
0x6c: {  	[sflag:s25] =	ssyncset.done $0x0  }
.Ltmp1:
0x6d: {  	s31 =	sadd.s32 $0x1C80, s30;
	[sflag:s25] =	ssyncadd.s32 $0xFFFFCE00;
	(pc) =	sbr.rel @p2 .LBB2_4-.Ltmp1, $4  }
0x6e: {  	[spmem:s2] =	stream.indirect.scatter.add.f32 [tilespmem:s23], [sflag:$0x3], $0x80, s31, s21, $0xb8;
	[tilespmem:$0x1D880] =	vst v63  }
0x6f: {  	_ =	swait.ge [sflag:s19], $0x3200  }
0x70: {  	[sflag:s19] =	ssyncset.done $0x0  }
0x71: {  	s30 =	sadd.s32 $0x180, s30;
	[sflag:s19] =	ssyncadd.s32 $0xFFFFCE00  }
0x72: {  	[tilespmem:s23], [sflag:$0x2] =	stream.indirect.gather [hbm4b:s1+s21], $0x80, s30, s21, $0xb8;
	[tilespmem:$0x1D880] =	vst v63  }
0x73: {  	_ =	swait.ge [sflag:s24], $0x3200  }
0x74: {  	[sflag:s24] =	ssyncset.done $0x0  }
0x75: {  	[sflag:s24] =	ssyncadd.s32 $0xFFFFCE00  }
0x76: {  	[spmem:s2] =	stream.indirect.scatter.add.f32 [tilespmem:s18], [sflag:$0x3], $0x80, s26, s21, $0xb8;
	[tilespmem:$0x1D880] =	vst v63  }
0x77: {  	_ =	swait.ge [sflag:s19], $0x3200  }
0x78: {  	[sflag:s19] =	ssyncset.done $0x0  }
0x79: {  	[sflag:s19] =	ssyncadd.s32 $0xFFFFCE00  }
0x7a: {  	_ =	swait.ge [sflag:s25], $0x3200  }
0x7b: {  	[sflag:s25] =	ssyncset.done $0x0  }
0x7c: {  	[sflag:s25] =	ssyncadd.s32 $0xFFFFCE00  }
0x7d: {  	[spmem:s2] =	stream.indirect.scatter.add.f32 [tilespmem:s23], [sflag:$0x3], $0x80, s28, s21, $0xb8;
	[tilespmem:$0x1D880] =	vst v63  }
0x7e: {  	_ =	swait.ge [sflag:s19], $0x3200  }
0x7f: {  	[sflag:s19] =	ssyncset.done $0x0  }
0x80: {  	s29 =	simm.s32 $0x0;
	[sflag:s19] =	ssyncadd.s32 $0xFFFFCE00  }
0x81: {  	[tilespmem:s29], [sflag:$0x3] =	stream.linear.gather [hbm4b:s8+s29], $0x1900, $0x38;
	[tilespmem:$0x1D880] =	vst v63  }
0x82: {  	_ =	swait.ge [sflag:s19], $0x1900  }
0x83: {  	[sflag:s19] =	ssyncset.done $0x0  }
0x84: {  	[sflag:s19] =	ssyncadd.s32 $0xFFFFE700  }
0x85: {  	[tilespmem:s20], [sflag:$0x3] =	stream.linear.gather [hbm4b:s9+s29], $0x1900, $0x38;
	[tilespmem:$0x1D880] =	vst v63  }
0x86: {  	_ =	swait.ge [sflag:s19], $0x1900  }
0x87: {  	[sflag:s19] =	ssyncset.done $0x0  }
0x88: {  	[sflag:s19] =	ssyncadd.s32 $0xFFFFE700  }
0x89: {  	[tilespmem:s18], [sflag:$0x1] =	stream.indirect.gather [hbm4b:s1+s21], $0x80, s29, s21, $0xb8;
	[tilespmem:$0x1D880] =	vst v63  }
0x8a: {  	_ = 	snop  }
0x8b: {  	[tilespmem:s23], [sflag:$0x2] =	stream.indirect.gather [hbm4b:s1+s21], $0x80, s22, s21, $0xb8;
	[tilespmem:$0x1D880] =	vst v63  }
0x8c: {  	_ =	swait.ge [sflag:s24], $0x3200  }
0x8d: {  	[sflag:s24] =	ssyncset.done $0x0  }
0x8e: {  	s29 =	simm.s32 $0x1C00;
	[sflag:s24] =	ssyncadd.s32 $0xFFFFCE00  }
0x8f: {  	[spmem:s2] =	stream.indirect.scatter.add.f32 [tilespmem:s18], [sflag:$0x3], $0x80, s29, s21, $0xb8;
	[tilespmem:$0x1D880] =	vst v63  }
0x90: {  	_ =	swait.ge [sflag:s19], $0x3200  }
0x91: {  	[sflag:s19] =	ssyncset.done $0x0  }
0x92: {  	s29 =	simm.s32 $0x100;
	[sflag:s19] =	ssyncadd.s32 $0xFFFFCE00  }
0x93: {  	[tilespmem:s18], [sflag:$0x1] =	stream.indirect.gather [hbm4b:s1+s21], $0x80, s29, s21, $0xb8;
	[tilespmem:$0x1D880] =	vst v63  }
0x94: {  	_ =	swait.ge [sflag:s25], $0x3200  }
0x95: {  	[sflag:s25] =	ssyncset.done $0x0  }
0x96: {  	s29 =	simm.s32 $0x1C80;
	[sflag:s25] =	ssyncadd.s32 $0xFFFFCE00  }
0x97: {  	[spmem:s2] =	stream.indirect.scatter.add.f32 [tilespmem:s23], [sflag:$0x3], $0x80, s29, s21, $0xb8;
	[tilespmem:$0x1D880] =	vst v63  }
0x98: {  	_ =	swait.ge [sflag:s19], $0x3200  }
0x99: {  	[sflag:s19] =	ssyncset.done $0x0  }
0x9a: {  	s30 =	simm.s32 $0x180;
	s29 =	simm.s32 $0x400;
	[sflag:s19] =	ssyncadd.s32 $0xFFFFCE00  }
.LBB2_6:
0x9b: {  	[tilespmem:s23], [sflag:$0x2] =	stream.indirect.gather [hbm4b:s1+s21], $0x80, s30, s21, $0xb8;
	[tilespmem:$0x1D880] =	vst v63  }
0x9c: {  	s30 =	smov.u32 s29  }
0x9d: {  	p2 =	sne.s32 s29, $0x5C00;
	s29 =	sadd.s32 $0x400, s29;
	_ =	swait.ge [sflag:s24], $0x3200  }
0x9e: {  	s30 =	sshra.s32 s30, $0x2;
	[sflag:s24] =	ssyncset.done $0x0  }
0x9f: {  	s31 =	sadd.s32 $0x1C00, s30;
	[sflag:s24] =	ssyncadd.s32 $0xFFFFCE00  }
0xa0: {  	[spmem:s2] =	stream.indirect.scatter.add.f32 [tilespmem:s18], [sflag:$0x3], $0x80, s31, s21, $0xb8;
	[tilespmem:$0x1D880] =	vst v63  }
0xa1: {  	_ =	swait.ge [sflag:s19], $0x3200  }
0xa2: {  	[sflag:s19] =	ssyncset.done $0x0  }
0xa3: {  	s31 =	sadd.s32 $0x100, s30;
	[sflag:s19] =	ssyncadd.s32 $0xFFFFCE00  }
0xa4: {  	[tilespmem:s18], [sflag:$0x1] =	stream.indirect.gather [hbm4b:s1+s21], $0x80, s31, s21, $0xb8;
	[tilespmem:$0x1D880] =	vst v63  }
0xa5: {  	_ =	swait.ge [sflag:s25], $0x3200  }
0xa6: {  	[sflag:s25] =	ssyncset.done $0x0  }
.Ltmp2:
0xa7: {  	s31 =	sadd.s32 $0x1C80, s30;
	[sflag:s25] =	ssyncadd.s32 $0xFFFFCE00;
	(pc) =	sbr.rel @p2 .LBB2_6-.Ltmp2, $4  }
0xa8: {  	[spmem:s2] =	stream.indirect.scatter.add.f32 [tilespmem:s23], [sflag:$0x3], $0x80, s31, s21, $0xb8;
	[tilespmem:$0x1D880] =	vst v63  }
0xa9: {  	_ =	swait.ge [sflag:s19], $0x3200  }
0xaa: {  	[sflag:s19] =	ssyncset.done $0x0  }
0xab: {  	s30 =	sadd.s32 $0x180, s30;
	[sflag:s19] =	ssyncadd.s32 $0xFFFFCE00  }
0xac: {  	[tilespmem:s23], [sflag:$0x2] =	stream.indirect.gather [hbm4b:s1+s21], $0x80, s30, s21, $0xb8;
	[tilespmem:$0x1D880] =	vst v63  }
0xad: {  	_ =	swait.ge [sflag:s24], $0x3200  }
0xae: {  	[sflag:s24] =	ssyncset.done $0x0  }
0xaf: {  	[sflag:s24] =	ssyncadd.s32 $0xFFFFCE00  }
0xb0: {  	[spmem:s2] =	stream.indirect.scatter.add.f32 [tilespmem:s18], [sflag:$0x3], $0x80, s26, s21, $0xb8;
	[tilespmem:$0x1D880] =	vst v63  }
0xb1: {  	_ =	swait.ge [sflag:s19], $0x3200  }
0xb2: {  	[sflag:s19] =	ssyncset.done $0x0  }
0xb3: {  	[sflag:s19] =	ssyncadd.s32 $0xFFFFCE00  }
0xb4: {  	_ =	swait.ge [sflag:s25], $0x3200  }
0xb5: {  	[sflag:s25] =	ssyncset.done $0x0  }
0xb6: {  	[sflag:s25] =	ssyncadd.s32 $0xFFFFCE00  }
0xb7: {  	[spmem:s2] =	stream.indirect.scatter.add.f32 [tilespmem:s23], [sflag:$0x3], $0x80, s28, s21, $0xb8;
	[tilespmem:$0x1D880] =	vst v63  }
0xb8: {  	_ =	swait.ge [sflag:s19], $0x3200  }
0xb9: {  	[sflag:s19] =	ssyncset.done $0x0  }
0xba: {  	s29 =	sshrl.u32 @!p1 s2, $0x3;
	[sflag:s19] =	ssyncadd.s32 $0xFFFFCE00  }
0xbb: {  	s30 =	simm.s32 @!p1 $0x1C03;
	s3 =	sadd.s32 $0x1, s3;
	[bflag:$0x0] =	sbarrier.arrive $0xFFFF  }
0xbc: {  	[hbm:s10], [sflag:s30] =	dma.local @!p1 [spmem:s29], $0x27100  }
0xbd: {  	p2 =	sne.s32 s3, s11;
	s29 =	simm.s32 @!p1 $0x3  }
.Ltmp3:
0xbe: {  	_ =	swait.ge @!p1 [sflag:s29], $0x27100;
	(pc) =	sbr.rel @p2 .LBB2_1-.Ltmp3, $3  }
0xbf: {  	[sflag:s29] =	ssyncset.done @!p1 $0x0  }
0xc0: {  	[sflag:s29] =	ssyncadd.s32 @!p1 $0xFFFD8F00  }
0xc1: {  	[bflag:$0x0] =	sbarrier.arrive $0xFFFF;
	_ =	sdelay $0x1  }
0xc2: {  	_ =	sfence.sel $0x180000  }
0xc3: {  	[bflag:$0x0] =	sbarrier.arrive $0xFFFF  }
0xc4: {  	_ =	strace $0x90000047  }
0xc5: {  	s0 =	sadd.s32 @!p1 $0x100000, s0;
	[bflag:$0x2] =	sbarrier.arrive $0xFFFF  }
0xc6: {  	[sflag:s0] =	ssyncadd.tile.s32 @!p1 $0x1;
	_ =	shalt  }
.Lfunc_end2:
_tile_overlayer_lowered:
.L_overlay_start_2:
0xc7: {  	(tag) =	ssettag $0x2  }
0xc8: {  	s0 =	rddreg [dreg:$0x0];
	s2 =	stileid.u32  }
0xc9: {  	s1 =	rddreg [dreg:$0x1];
	p0 =	sne.s32 s2, $0x0  }
0xca: {  	s3 =	rddreg [dreg:$0x2];
	[bflag:$0x3] =	sbarrier.arrive $0xFFFF;
	s2 =	simm.s32 @!p0 $0x1C03  }
0xcb: {  	[timem:s3], [sflag:s2] =	dma.local @!p0 [hbm:s0], s1  }
0xcc: {  	s0 =	simm.s32 @!p0 $0x3  }
0xcd: {  	_ =	swait.ge @!p0 [sflag:s0], s1  }
0xce: {  	s1 =	ssub.s32 @!p0 $0x0, s1;
	[sflag:s0] =	ssyncset.done @!p0 $0x0  }
0xcf: {  	[sflag:s0] =	ssyncadd.s32 @!p0 s1  }
0xd0: {  	[bflag:$0x3] =	sbarrier.arrive $0xFFFF  }
0xd1: {  	_ =	shalt  }

// kernel: kernel.9.cloned.1.call-start
scs
__scs_entry_jumppad:
0x0: {  	(pc) =	sbr.rel $0x88, $3  }
0x1: {  	(tag) =	ssettag $0x0;
	lr =	simm.s32 $0x1  }
0x2: {  	[smem:$0x3F91] =	sst lr;
	_ =	strace $0xD0000000  }
0x3: {  	_ = 	snop  }
0x4: {  	_ = 	snop  }
0x5: {  	_ = 	snop  }
0x6: {  	_ = 	snop  }
0x7: {  	_ = 	snop  }
__scs_overlays_trampoline_lowered:
0x8: {  	[smem:$0x3FA0] =	sst s0  }
0x9: {  	[smem:$0x3FA1] =	sst s1  }
0xa: {  	[smem:$0x3FA2] =	sst s2  }
0xb: {  	[smem:$0x3FA3] =	sst s3  }
0xc: {  	[smem:$0x3FA4] =	sst s4  }
0xd: {  	[smem:$0x3FA5] =	sst s5  }
0xe: {  	[smem:$0x3FA6] =	sst s6  }
0xf: {  	[smem:$0x3FA7] =	sst s7  }
0x10: {  	[smem:$0x3FA8] =	sst s8  }
0x11: {  	[smem:$0x3FA9] =	sst s9;
	s0 =	simm.s32 @!p0 $0x0  }
0x12: {  	s1 =	sld [smem:$0x3F8F];
	s0 =	simm.s32 @p0 $0x1  }
0x13: {  	[smem:$0x3FAA] =	sst s0;
	s0 =	simm.s32 @!p1 $0x0  }
0x14: {  	s2 =	sld [smem:$0x3F8E];
	s0 =	simm.s32 @p1 $0x1  }
0x15: {  	[smem:$0x3FAB] =	sst s0;
	s0 =	simm.s32 @!p2 $0x0  }
0x16: {  	s3 =	sld [smem:$0x3FDB];
	s0 =	simm.s32 @p2 $0x1  }
0x17: {  	s4 =	simm.s32 $0x1BF5;
	[smem:$0x3FAD] =	sst s0  }
0x18: {  	s0 =	sld [smem:$0x3F90];
	_ =	swait.ge [sflag:s4], $0x0  }
0x19: {  	s7 =	sld [smem:$0x3F91]  }
0x1a: {  	s8 =	sadd.s32 $0xFFFFE003, lr  }
0x1b: {  	s9 =	sadd.s32 $0xFFFFFEF7, lr;
	s5 =	simm.s32 $0xFFFFFFFF;
	p2 =	slt.u32 s8, $0xFFFFF086  }
0x1c: {  	p1 =	slt.u32 s9, $0xF7A;
	s5 =	simm.s32 @!p2 $0x0  }
0x1d: {  	s5 =	simm.s32 @p1 $0x1;
	p0 =	seq.s32 s7, s2  }
0x1e: {  	s7 =	smul.u32 @!p0 $0xF7A, s2;
	p2 =	seq.s32 @!p0 s5, $0x0  }
0x1f: {  	s9 =	smul.u32 $0xF7A, s1;
	s8 =	simm.s32 @!p0 $0x1BF5;
	p2 =	por !p2, p0  }
0x20: {  	[sflag:s8] =	ssyncset.s32 @!p0 $0xFFFFF086;
	s6 =	sadd.s32 @!p0 s3, s7;
	s7 =	simm.s32 @!p0 $0x108  }
0x21: {  	s3 =	sadd.s32 s3, s9;
	s6 =	sadd.s32 @!p0 $0x88, s6;
	s7 =	simm.s32 @p2 $0x1082  }
0x22: {  	[simem:s7], [sflag:s8] =	dma.local @!p0 [hbm:s6], $0xF7A  }
0x23: {  	s9 =	sor.u32 $0xD0000000, s2;
	s6 =	simm.s32 $0x108;
	_ =	swait.ge @!p0 [sflag:s8], $0x0  }
0x24: {  	s3 =	sadd.s32 $0x88, s3;
	s6 =	simm.s32 @!p1 $0x1082;
	[sflag:s4] =	ssyncset.s32 $0xFFFFF086  }
0x25: {  	[simem:s6], [sflag:s4] =	dma.local [hbm:s3], $0xF7A  }
0x26: {  	[smem:$0x3F91] =	sst s1;
	(tag) =	ssettag s2;
	_ =	strace s9  }
0x27: {  	s1 =	sld [smem:$0x3FA1]  }
0x28: {  	s2 =	sld [smem:$0x3FA2]  }
0x29: {  	s4 =	sld [smem:$0x3FA4]  }
0x2a: {  	p0 =	seq.s32 s5, $0x0;
	s5 =	sld [smem:$0x3FA5]  }
0x2b: {  	s6 =	sld [smem:$0x3FA6]  }
0x2c: {  	s7 =	sld [smem:$0x3FA7]  }
0x2d: {  	s3 =	simm.s32 $0x108;
	s8 =	sld [smem:$0x3FA8]  }
0x2e: {  	s3 =	simm.s32 @!p0 $0x1082;
	s9 =	sld [smem:$0x3FA9]  }
0x2f: {  	lr =	sadd.s32 s0, s3;
	s0 =	sld [smem:$0x3FA0]  }
0x30: {  	s3 =	sld [smem:$0x3FA3]  }
0x31: {  	[smem:$0x3FAC] =	sst s10  }
0x32: {  	s10 =	sld [smem:$0x3FAA];
	_ =	sdelay $0x3  }
0x33: {  	p0 =	seq.s32 s10, $0x1;
	s10 =	sld [smem:$0x3FAC];
	_ =	sdelay $0x3  }
0x34: {  	[smem:$0x3FAC] =	sst s10  }
0x35: {  	s10 =	sld [smem:$0x3FAB];
	_ =	sdelay $0x3  }
0x36: {  	p1 =	seq.s32 s10, $0x1;
	s10 =	sld [smem:$0x3FAC];
	_ =	sdelay $0x3  }
0x37: {  	[smem:$0x3FAC] =	sst s10  }
0x38: {  	s10 =	sld [smem:$0x3FAD]  }
0x39: {  	_ = 	snop;
	(pc) =	sbr.ind lr, $3  }
0x3a: {  	_ = 	snop  }
0x3b: {  	_ = 	snop  }
0x3c: {  	p2 =	seq.s32 s10, $0x1;
	s10 =	sld [smem:$0x3FAC]  }
0x3d: {  	_ =	shalt  }
0x3e: {  	_ =	shalt  }
0x3f: {  	_ =	shalt  }
0x40: {  	_ =	shalt  }
0x41: {  	_ =	shalt  }
0x42: {  	_ =	shalt  }
0x43: {  	_ =	shalt  }
0x44: {  	_ =	shalt  }
0x45: {  	_ =	shalt  }
0x46: {  	_ =	shalt  }
0x47: {  	_ =	shalt  }
0x48: {  	_ =	shalt  }
0x49: {  	_ =	shalt  }
0x4a: {  	_ =	shalt  }
0x4b: {  	_ =	shalt  }
0x4c: {  	_ =	shalt  }
0x4d: {  	_ =	shalt  }
0x4e: {  	_ =	shalt  }
0x4f: {  	_ =	shalt  }
0x50: {  	_ =	shalt  }
0x51: {  	_ =	shalt  }
0x52: {  	_ =	shalt  }
0x53: {  	_ =	shalt  }
0x54: {  	_ =	shalt  }
0x55: {  	_ =	shalt  }
0x56: {  	_ =	shalt  }
0x57: {  	_ =	shalt  }
0x58: {  	_ =	shalt  }
0x59: {  	_ =	shalt  }
0x5a: {  	_ =	shalt  }
0x5b: {  	_ =	shalt  }
0x5c: {  	_ =	shalt  }
0x5d: {  	_ =	shalt  }
0x5e: {  	_ =	shalt  }
0x5f: {  	_ =	shalt  }
0x60: {  	_ =	shalt  }
0x61: {  	_ =	shalt  }
0x62: {  	_ =	shalt  }
0x63: {  	_ =	shalt  }
0x64: {  	_ =	shalt  }
0x65: {  	_ =	shalt  }
0x66: {  	_ =	shalt  }
0x67: {  	_ =	shalt  }
0x68: {  	_ =	shalt  }
0x69: {  	_ =	shalt  }
0x6a: {  	_ =	shalt  }
0x6b: {  	_ =	shalt  }
0x6c: {  	_ =	shalt  }
0x6d: {  	_ =	shalt  }
0x6e: {  	_ =	shalt  }
0x6f: {  	_ =	shalt  }
0x70: {  	_ =	shalt  }
0x71: {  	_ =	shalt  }
0x72: {  	_ =	shalt  }
0x73: {  	_ =	shalt  }
0x74: {  	_ =	shalt  }
0x75: {  	_ =	shalt  }
0x76: {  	_ =	shalt  }
0x77: {  	_ =	shalt  }
0x78: {  	_ =	shalt  }
0x79: {  	_ =	shalt  }
0x7a: {  	_ =	shalt  }
0x7b: {  	_ =	shalt  }
0x7c: {  	_ =	shalt  }
0x7d: {  	_ =	shalt  }
0x7e: {  	_ =	shalt  }
0x7f: {  	_ =	shalt  }
0x80: {  	_ =	shalt  }
0x81: {  	_ =	shalt  }
0x82: {  	_ =	shalt  }
0x83: {  	_ =	shalt  }
0x84: {  	_ =	shalt  }
0x85: {  	_ =	shalt  }
0x86: {  	_ =	shalt  }
0x87: {  	_ =	shalt  }
.Lfunc_end0:
.L_simem_size_0:
called_computation.1_lowered:
.L_overlay_start_0:
0x88: {  	s2 =	sld [smem:$0x3FD9]  }
0x89: {  	s3 =	sld [smem:$0x3FFE];
	_ =	sdelay $0x1  }
0x8a: {  	s1 =	srdreg.scid  }
0x8b: {  	s0 =	sand.u32 $0x1, s1  }
0x8c: {  	s15 =	sshll.u32 s0, $0xA;
	s2 =	sadd.s32 s3, s2  }
0x8d: {  	s2 =	sadd.s32 s2, s15  }
0x8e: {  	[smem:$0x3FB8] =	sst s2  }
0x8f: {  	_ = 	snop  }
0x90: {  	s2 =	sld [smem:$0x3FD0];
	_ =	sdelay $0x2  }
0x91: {  	s4 =	simm.s32 $0xB;
	s5 =	simm.s32 $0x10;
	s16 =	sld [smem:$0x3FC8]  }
0x92: {  	[smem:s5], [sflag:s4] =	dma.local [hbm:s2], $0x1  }
0x93: {  	_ =	swait.eq [sflag:s4], $0x1  }
0x94: {  	[sflag:s4] =	ssyncset.done $0x0  }
0x95: {  	[sflag:s4] =	ssyncadd.s32 $0xFFFFFFFF  }
0x96: {  	s17 =	sld [smem:$0x10];
	(tm) =	ssettm $0x1  }
0x97: {  	s18 =	sld [smem:$0x3FFB];
	_ =	sdelay $0x3  }
0x98: {  	_ =	strace s18  }
0x99: {  	s2 =	sld [smem:$0x3FFC];
	_ =	sdelay $0x3  }
0x9a: {  	_ =	strace s2  }
0x9b: {  	s2 =	sld [smem:$0x3FFD];
	_ =	sdelay $0x3  }
0x9c: {  	_ =	strace s2  }
0x9d: {  	_ =	strace $0x8FFFFFFF  }
0x9e: {  	s19 =	sld [smem:$0x3FDB];
	_ =	sdelay $0x1  }
0x9f: {  	s20 =	simm.s32 $_scs_section_size  }
0xa0: {  	s6 =	simm.s32 $_size__tile_overlayer_lowered;
	s7 =	simm.s32 $_tile_overlayer_lowered  }
0xa1: {  	s8 =	simm.s32 $0x1BFF;
	s21 =	sshll.u32 s7, $0x1;
	s5 =	sadd.s32 s20, s19  }
0xa2: {  	s22 =	simm.s32 $0x0;
	s6 =	sshll.u32 s6, $0x1;
	s7 =	sadd.s32 s21, s5  }
0xa3: {  	[timem:s22], [sflag:s8] =	dma.local [hbm:s7], s6  }
0xa4: {  	_ =	swait.ge [sflag:s8], s6  }
0xa5: {  	s6 =	ssub.s32 $0x0, s6;
	[sflag:s8] =	ssyncset.done $0x0  }
0xa6: {  	[sflag:s8] =	ssyncadd.s32 s6;
	_ =	sdelay $0x1  }
0xa7: {  	s23 =	simm.s32 $0x1B8B  }
0xa8: {  	_ =	swait.ge [sflag:s23], $0x1  }
0xa9: {  	[sflag:s23] =	ssyncset.done $0x0  }
0xaa: {  	[sflag:s23] =	ssyncadd.s32 $0xFFFFFFFF  }
0xab: {  	s6 =	sld [smem:$0x0]  }
0xac: {  	s7 =	sand.u32 $0xFFFFFFFE, s1  }
0xad: {  	p0 =	sne.s32 s1, s7  }
0xae: {  	s7 =	sshll.u32 @p0 s7, $0xE  }
0xaf: {  	s7 =	sadd.s32 @p0 $0x11B8D, s7;
	s8 =	sshll.u32 @p0 s6, $0x11  }
0xb0: {  	s7 =	sor.u32 @p0 s8, s7  }
0xb1: {  	[sflag:s7] =	ssyncadd.remote.s32 @p0 $0x1;
	_ =	sdelay $0x1  }
0xb2: {  	s7 =	simm.s32 @p0 $0x1B8D  }
0xb3: {  	_ =	swait.eq @p0 [sflag:s7], $0x1  }
0xb4: {  	[sflag:s7] =	ssyncadd.s32 @p0 $0xFFFFFFFF  }
0xb5: {  	s8 =	sshll.u32 @!p0 s1, $0xE  }
0xb6: {  	s8 =	sor.u32 @!p0 $0x4000, s8;
	s7 =	simm.s32 @!p0 $0x1B8D  }
0xb7: {  	s6 =	sshll.u32 @!p0 s6, $0x11;
	s8 =	sadd.s32 @!p0 $0x11B8D, s8;
	_ =	swait.eq @!p0 [sflag:s7], $0x1  }
0xb8: {  	s6 =	sor.u32 @!p0 s6, s8;
	[sflag:s7] =	ssyncadd.s32 @!p0 $0xFFFFFFFF  }
0xb9: {  	s25 =	simm.s32 $0x1B8E;
	s24 =	sld [smem:$0x3FFE];
	[sflag:s6] =	ssyncadd.remote.s32 @!p0 $0x1  }
0xba: {  	s26 =	simm.s32 $execute0_lowered;
	[smem:$0x3FD2] =	sst s25  }
0xbb: {  	s7 =	sshll.u32 s26, $0x1;
	_ =	strace $0x80000049;
	[dreg:$0x1] =	wrdreg $0xFFFFFFFF  }
0xbc: {  	s28 =	simm.s32 $_size_execute0_lowered;
	s5 =	sadd.s32 s5, s7;
	[dreg:$0x0] =	wrdreg $0x0  }
0xbd: {  	s7 =	sshll.u32 s28, $0x1;
	[dreg:$0x2] =	wrdreg s5  }
0xbe: {  	[dreg:$0x3] =	wrdreg s7  }
0xbf: {  	[dreg:$0x4] =	wrdreg $0xC0  }
0xc0: {  	_ =	task [dreg:s22], $0x5FFFF  }
0xc1: {  	[dreg:$0x1] =	wrdreg $0xFFFFFFFF  }
0xc2: {  	[dreg:$0x0] =	wrdreg $0x60  }
0xc3: {  	[dreg:$0x2] =	wrdreg s16  }
0xc4: {  	[dreg:$0x3] =	wrdreg s17  }
0xc5: {  	[dreg:$0x4] =	wrdreg s24  }
0xc6: {  	[dreg:$0x5] =	wrdreg $0xA0000  }
0xc7: {  	[dreg:$0x6] =	wrdreg $0xA  }
0xc8: {  	_ =	task.clear_ibuf [dreg:s22], $0x7FFFF;
	_ =	strace $0x90000049  }
0xc9: {  	s29 =	simm.s32 $0xA;
	_ =	strace $0x8000004B  }
0xca: {  	_ =	swait.ge [sflag:s29], $0x1  }
0xcb: {  	[sflag:s29] =	ssyncadd.s32 $0xFFFFFFFF  }
0xcc: {  	_ =	strace $0x9000004B  }
0xcd: {  	_ =	sfence  }
0xce: {  	s30 =	sld [smem:$0x0];
	_ =	sdelay $0x2  }
0xcf: {  	s31 =	sshll.u32 s1, $0xD;
	s1 =	sshrl.u32 s1, $0x2  }
0xd0: {  	s4 =	sand.u32 $0x4000, s31;
	s1 =	sadd.s32 s1, s30  }
0xd1: {  	s0 =	sor.u32 s4, s0;
	s1 =	sshll.u32 s1, $0x11  }
0xd2: {  	s0 =	sor.u32 s1, s0  }
0xd3: {  	s0 =	sadd.s32 $0x8F2B, s0  }
0xd4: {  	[sflag:s0] =	ssyncadd.remote.s32 $0x1  }
0xd5: {  	_ =	sfence.sel $0xFFFF  }
0xd6: {  	[dreg:$0x0] =	wrdreg $0xFFFFFFFF;
	(pc) =	sbr.abs _section_cstart, $3  }
0xd7: {  	[dreg:$0x1] =	wrdreg $0xFFFFFFFF  }
0xd8: {  	_ =	task.clear_ibuf [dreg:s22], $0x2FFFF;
	_ =	strace $0x9FFFFFFF  }
0xd9: {  	(tm) =	ssettm $0x7FFFFFFF  }
tec
execute0_lowered:
.L_overlay_start_1:
0x0: {  	(tag) =	ssettag $0x1  }
0x1: {  	s1 =	rddreg [dreg:$0x0]  }
0x2: {  	s8 =	rddreg [dreg:$0x1]  }
0x3: {  	s4 =	rddreg [dreg:$0x2]  }
0x4: {  	s2 =	rddreg [dreg:$0x3];
	s3 =	srdreg.scid  }
0x5: {  	s0 =	rddreg [dreg:$0x4];
	s25 =	stileid.u32;
	s18 =	simm.s32 $0x3800  }
0x6: {  	s19 =	simm.s32 $0x3;
	s20 =	simm.s32 $0x1C00;
	s21 =	simm.s32 $0x64  }
0x7: {  	s22 =	simm.s32 $0x80;
	s23 =	simm.s32 $0x6C00;
	s24 =	simm.s32 $0x1  }
0x8: {  	s26 =	simm.s32 $0x3400;
	s28 =	simm.s32 $0x3480;
	s5 =	sand.u32 $0x1, s3  }
0x9: {  	s3 =	simm.s32 $0x0;
	s7 =	sshll.u32 s25, $0x1;
	s9 =	smul.u32 $0xA000, s25  }
0xa: {  	s10 =	sadd.s32 $0x5E600, s4;
	p0 =	sgt.u32 s25, $0xC;
	p1 =	sne.s32 s25, $0x0  }
0xb: {  	s25 =	simm.s32 $0x2;
	s6 =	smul.u32 $0x27100, s5;
	[smem:$0x7FF] =	sst s3  }
0xc: {  	s7 =	sor.u32 s5, s7;
	s5 =	ssub.s32 $0x2, s5;
	_ =	strace $0x8000004A  }
0xd: {  	s7 =	smul.u32 $0x3800, s7;
	s29 =	sshrl.u32 s9, $0x2;
	s30 =	sshrl.u32 s5, $0x1  }
0xe: {  	s11 =	sadd.s32 s6, s4;
	s4 =	sadd.s32 s29, s2;
	s12 =	ssub.s32 s5, s30  }
0xf: {  	s7 =	sshrl.u32 s7, $0x3;
	s5 =	sadd.s32 $0x118000, s4;
	s13 =	sadd.s32 $0x50000, s4  }
0x10: {  	s14 =	sadd.s32 $0x78000, s4;
	s15 =	sadd.s32 $0xA0000, s4;
	s16 =	sadd.s32 $0xC8000, s4  }
0x11: {  	s17 =	sadd.s32 $0xF0000, s4;
	s31 =	sadd.s32 $0x380, s7;
	s6 =	sadd.s32 s8, s7  }
0x12: {  	s7 =	sadd.s32 s10, s7;
	s8 =	sadd.s32 s8, s31;
	s9 =	sadd.s32 s10, s31  }
0x13: {  	v0 =	vimm.f32 $0.0e+00;
	s10 =	sadd.s32 $0x6C600, s11;
	s11 =	smax.u32 s12, $0x1;
	s12 =	sadd.s32 $0x28000, s4  }
.LBB2_1:
0x14: {  	s29 =	simm.s32 $0x70;
	s30 =	simm.s32 $0x3C0  }
.LBB2_2:
0x15: {  	p2 =	sne.s32 s30, $0x9FC0;
	[tilespmem:s29+$0x3800] =	vst v0  }
0x16: {  	[tilespmem:s29+$0x3790] =	vst v0  }
0x17: {  	[tilespmem:s29+$0x37A0] =	vst v0  }
.Ltmp0:
0x18: {  	[tilespmem:s29+$0x37B0] =	vst v0;
	(pc) =	sbr.rel @p2 .LBB2_2-.Ltmp0, $4  }
0x19: {  	[tilespmem:s29+$0x37C0] =	vst v0  }
0x1a: {  	[tilespmem:s29+$0x37D0] =	vst v0  }
0x1b: {  	[tilespmem:s29+$0x37E0] =	vst v0  }
0x1c: {  	[tilespmem:s29+$0x37F0] =	vst v0;
	s29 =	sshra.s32 s30, $0x2;
	s30 =	sadd.s32 $0x200, s30  }
0x1d: {  	[tilespmem:s29+$0x3800] =	vst v0  }
0x1e: {  	[tilespmem:s29+$0x3790] =	vst v0  }
0x1f: {  	[tilespmem:s29+$0x37A0] =	vst v0  }
0x20: {  	[tilespmem:s29+$0x37B0] =	vst v0  }
0x21: {  	[tilespmem:s29+$0x37C0] =	vst v0  }
0x22: {  	[tilespmem:s29+$0x37D0] =	vst v0  }
0x23: {  	[tilespmem:s29+$0x37E0] =	vst v0  }
0x24: {  	[tilespmem:s29+$0x37F0] =	vst v0  }
0x25: {  	[spmem:s4] =	stream.linear.scatter [tilespmem:s18], [sflag:$0x3], $0x2800, $0x38;
	[tilespmem:$0x1D880] =	vst v63  }
0x26: {  	_ =	swait.ge [sflag:s19], $0x2800  }
0x27: {  	[sflag:s19] =	ssyncset.done $0x0  }
0x28: {  	[sflag:s19] =	ssyncadd.s32 $0xFFFFD800  }
0x29: {  	[spmem:s12] =	stream.linear.scatter [tilespmem:s18], [sflag:$0x3], $0x2800, $0x38;
	[tilespmem:$0x1D880] =	vst v63  }
0x2a: {  	_ =	swait.ge [sflag:s19], $0x2800  }
0x2b: {  	[sflag:s19] =	ssyncset.done $0x0  }
0x2c: {  	[sflag:s19] =	ssyncadd.s32 $0xFFFFD800  }
0x2d: {  	[spmem:s13] =	stream.linear.scatter [tilespmem:s18], [sflag:$0x3], $0x2800, $0x38;
	[tilespmem:$0x1D880] =	vst v63  }
0x2e: {  	_ =	swait.ge [sflag:s19], $0x2800  }
0x2f: {  	[sflag:s19] =	ssyncset.done $0x0  }
0x30: {  	[sflag:s19] =	ssyncadd.s32 $0xFFFFD800  }
0x31: {  	[spmem:s14] =	stream.linear.scatter [tilespmem:s18], [sflag:$0x3], $0x2800, $0x38;
	[tilespmem:$0x1D880] =	vst v63  }
0x32: {  	_ =	swait.ge [sflag:s19], $0x2800  }
0x33: {  	[sflag:s19] =	ssyncset.done $0x0  }
0x34: {  	[sflag:s19] =	ssyncadd.s32 $0xFFFFD800  }
0x35: {  	[spmem:s15] =	stream.linear.scatter [tilespmem:s18], [sflag:$0x3], $0x2800, $0x38;
	[tilespmem:$0x1D880] =	vst v63  }
0x36: {  	_ =	swait.ge [sflag:s19], $0x2800  }
0x37: {  	[sflag:s19] =	ssyncset.done $0x0  }
0x38: {  	[sflag:s19] =	ssyncadd.s32 $0xFFFFD800  }
0x39: {  	[spmem:s16] =	stream.linear.scatter [tilespmem:s18], [sflag:$0x3], $0x2800, $0x38;
	[tilespmem:$0x1D880] =	vst v63  }
0x3a: {  	_ =	swait.ge [sflag:s19], $0x2800  }
0x3b: {  	[sflag:s19] =	ssyncset.done $0x0  }
0x3c: {  	[sflag:s19] =	ssyncadd.s32 $0xFFFFD800  }
0x3d: {  	[spmem:s17] =	stream.linear.scatter [tilespmem:s18], [sflag:$0x3], $0x2800, $0x38;
	[tilespmem:$0x1D880] =	vst v63  }
0x3e: {  	_ =	swait.ge [sflag:s19], $0x2800  }
0x3f: {  	[sflag:s19] =	ssyncset.done $0x0  }
0x40: {  	s29 =	simm.s32 @!p0 $0x3800;
	[sflag:s19] =	ssyncadd.s32 $0xFFFFD800  }
0x41: {  	[spmem:s5] =	stream.linear.scatter @!p0 [tilespmem:s29], [sflag:$0x3], $0x2800, $0x38;
	[tilespmem:$0x1D880] =	vst v63  }
0x42: {  	s29 =	simm.s32 @!p0 $0x3  }
0x43: {  	_ =	swait.ge @!p0 [sflag:s29], $0x2800  }
0x44: {  	[sflag:s29] =	ssyncset.done @!p0 $0x0  }
0x45: {  	[sflag:s29] =	ssyncadd.s32 @!p0 $0xFFFFD800  }
0x46: {  	s29 =	simm.s32 $0x0;
	[bflag:$0x0] =	sbarrier.arrive $0xFFFF  }
0x47: {  	[tilespmem:s29], [sflag:$0x3] =	stream.linear.gather [hbm4b:s6+s29], $0x1900, $0x38;
	[tilespmem:$0x1D880] =	vst v63  }
0x48: {  	_ =	swait.ge [sflag:s19], $0x1900  }
0x49: {  	[sflag:s19] =	ssyncset.done $0x0  }
0x4a: {  	[sflag:s19] =	ssyncadd.s32 $0xFFFFE700  }
0x4b: {  	[tilespmem:s20], [sflag:$0x3] =	stream.linear.gather [hbm4b:s7+s29], $0x1900, $0x38;
	[tilespmem:$0x1D880] =	vst v63  }
0x4c: {  	_ =	swait.ge [sflag:s19], $0x1900  }
0x4d: {  	[sflag:s19] =	ssyncset.done $0x0  }
0x4e: {  	[sflag:s19] =	ssyncadd.s32 $0xFFFFE700  }
0x4f: {  	[tilespmem:s18], [sflag:$0x1] =	stream.indirect.gather [hbm4b:s1+s21], $0x80, s29, s21, $0xb8;
	[tilespmem:$0x1D880] =	vst v63  }
0x50: {  	_ = 	snop  }
0x51: {  	[tilespmem:s23], [sflag:$0x2] =	stream.indirect.gather [hbm4b:s1+s21], $0x80, s22, s21, $0xb8;
	[tilespmem:$0x1D880] =	vst v63  }
0x52: {  	_ =	swait.ge [sflag:s24], $0x3200  }
0x53: {  	[sflag:s24] =	ssyncset.done $0x0  }
0x54: {  	s29 =	simm.s32 $0x1C00;
	[sflag:s24] =	ssyncadd.s32 $0xFFFFCE00  }
0x55: {  	[spmem:s2] =	stream.indirect.scatter.add.f32 [tilespmem:s18], [sflag:$0x3], $0x80, s29, s21, $0xb8;
	[tilespmem:$0x1D880] =	vst v63  }
0x56: {  	_ =	swait.ge [sflag:s19], $0x3200  }
0x57: {  	[sflag:s19] =	ssyncset.done $0x0  }
0x58: {  	s29 =	simm.s32 $0x100;
	[sflag:s19] =	ssyncadd.s32 $0xFFFFCE00  }
0x59: {  	[tilespmem:s18], [sflag:$0x1] =	stream.indirect.gather [hbm4b:s1+s21], $0x80, s29, s21, $0xb8;
	[tilespmem:$0x1D880] =	vst v63  }
0x5a: {  	_ =	swait.ge [sflag:s25], $0x3200  }
0x5b: {  	[sflag:s25] =	ssyncset.done $0x0  }
0x5c: {  	s29 =	simm.s32 $0x1C80;
	[sflag:s25] =	ssyncadd.s32 $0xFFFFCE00  }
0x5d: {  	[spmem:s2] =	stream.indirect.scatter.add.f32 [tilespmem:s23], [sflag:$0x3], $0x80, s29, s21, $0xb8;
	[tilespmem:$0x1D880] =	vst v63  }
0x5e: {  	_ =	swait.ge [sflag:s19], $0x3200  }
0x5f: {  	[sflag:s19] =	ssyncset.done $0x0  }
0x60: {  	s30 =	simm.s32 $0x180;
	s29 =	simm.s32 $0x400;
	[sflag:s19] =	ssyncadd.s32 $0xFFFFCE00  }
.LBB2_4:
0x61: {  	[tilespmem:s23], [sflag:$0x2] =	stream.indirect.gather [hbm4b:s1+s21], $0x80, s30, s21, $0xb8;
	[tilespmem:$0x1D880] =	vst v63  }
0x62: {  	s30 =	smov.u32 s29  }
0x63: {  	p2 =	sne.s32 s29, $0x5C00;
	s29 =	sadd.s32 $0x400, s29;
	_ =	swait.ge [sflag:s24], $0x3200  }
0x64: {  	s30 =	sshra.s32 s30, $0x2;
	[sflag:s24] =	ssyncset.done $0x0  }
0x65: {  	s31 =	sadd.s32 $0x1C00, s30;
	[sflag:s24] =	ssyncadd.s32 $0xFFFFCE00  }
0x66: {  	[spmem:s2] =	stream.indirect.scatter.add.f32 [tilespmem:s18], [sflag:$0x3], $0x80, s31, s21, $0xb8;
	[tilespmem:$0x1D880] =	vst v63  }
0x67: {  	_ =	swait.ge [sflag:s19], $0x3200  }
0x68: {  	[sflag:s19] =	ssyncset.done $0x0  }
0x69: {  	s31 =	sadd.s32 $0x100, s30;
	[sflag:s19] =	ssyncadd.s32 $0xFFFFCE00  }
0x6a: {  	[tilespmem:s18], [sflag:$0x1] =	stream.indirect.gather [hbm4b:s1+s21], $0x80, s31, s21, $0xb8;
	[tilespmem:$0x1D880] =	vst v63  }
0x6b: {  	_ =	swait.ge [sflag:s25], $0x3200  }
0x6c: {  	[sflag:s25] =	ssyncset.done $0x0  }
.Ltmp1:
0x6d: {  	s31 =	sadd.s32 $0x1C80, s30;
	[sflag:s25] =	ssyncadd.s32 $0xFFFFCE00;
	(pc) =	sbr.rel @p2 .LBB2_4-.Ltmp1, $4  }
0x6e: {  	[spmem:s2] =	stream.indirect.scatter.add.f32 [tilespmem:s23], [sflag:$0x3], $0x80, s31, s21, $0xb8;
	[tilespmem:$0x1D880] =	vst v63  }
0x6f: {  	_ =	swait.ge [sflag:s19], $0x3200  }
0x70: {  	[sflag:s19] =	ssyncset.done $0x0  }
0x71: {  	s30 =	sadd.s32 $0x180, s30;
	[sflag:s19] =	ssyncadd.s32 $0xFFFFCE00  }
0x72: {  	[tilespmem:s23], [sflag:$0x2] =	stream.indirect.gather [hbm4b:s1+s21], $0x80, s30, s21, $0xb8;
	[tilespmem:$0x1D880] =	vst v63  }
0x73: {  	_ =	swait.ge [sflag:s24], $0x3200  }
0x74: {  	[sflag:s24] =	ssyncset.done $0x0  }
0x75: {  	[sflag:s24] =	ssyncadd.s32 $0xFFFFCE00  }
0x76: {  	[spmem:s2] =	stream.indirect.scatter.add.f32 [tilespmem:s18], [sflag:$0x3], $0x80, s26, s21, $0xb8;
	[tilespmem:$0x1D880] =	vst v63  }
0x77: {  	_ =	swait.ge [sflag:s19], $0x3200  }
0x78: {  	[sflag:s19] =	ssyncset.done $0x0  }
0x79: {  	[sflag:s19] =	ssyncadd.s32 $0xFFFFCE00  }
0x7a: {  	_ =	swait.ge [sflag:s25], $0x3200  }
0x7b: {  	[sflag:s25] =	ssyncset.done $0x0  }
0x7c: {  	[sflag:s25] =	ssyncadd.s32 $0xFFFFCE00  }
0x7d: {  	[spmem:s2] =	stream.indirect.scatter.add.f32 [tilespmem:s23], [sflag:$0x3], $0x80, s28, s21, $0xb8;
	[tilespmem:$0x1D880] =	vst v63  }
0x7e: {  	_ =	swait.ge [sflag:s19], $0x3200  }
0x7f: {  	[sflag:s19] =	ssyncset.done $0x0  }
0x80: {  	s29 =	simm.s32 $0x0;
	[sflag:s19] =	ssyncadd.s32 $0xFFFFCE00  }
0x81: {  	[tilespmem:s29], [sflag:$0x3] =	stream.linear.gather [hbm4b:s8+s29], $0x1900, $0x38;
	[tilespmem:$0x1D880] =	vst v63  }
0x82: {  	_ =	swait.ge [sflag:s19], $0x1900  }
0x83: {  	[sflag:s19] =	ssyncset.done $0x0  }
0x84: {  	[sflag:s19] =	ssyncadd.s32 $0xFFFFE700  }
0x85: {  	[tilespmem:s20], [sflag:$0x3] =	stream.linear.gather [hbm4b:s9+s29], $0x1900, $0x38;
	[tilespmem:$0x1D880] =	vst v63  }
0x86: {  	_ =	swait.ge [sflag:s19], $0x1900  }
0x87: {  	[sflag:s19] =	ssyncset.done $0x0  }
0x88: {  	[sflag:s19] =	ssyncadd.s32 $0xFFFFE700  }
0x89: {  	[tilespmem:s18], [sflag:$0x1] =	stream.indirect.gather [hbm4b:s1+s21], $0x80, s29, s21, $0xb8;
	[tilespmem:$0x1D880] =	vst v63  }
0x8a: {  	_ = 	snop  }
0x8b: {  	[tilespmem:s23], [sflag:$0x2] =	stream.indirect.gather [hbm4b:s1+s21], $0x80, s22, s21, $0xb8;
	[tilespmem:$0x1D880] =	vst v63  }
0x8c: {  	_ =	swait.ge [sflag:s24], $0x3200  }
0x8d: {  	[sflag:s24] =	ssyncset.done $0x0  }
0x8e: {  	s29 =	simm.s32 $0x1C00;
	[sflag:s24] =	ssyncadd.s32 $0xFFFFCE00  }
0x8f: {  	[spmem:s2] =	stream.indirect.scatter.add.f32 [tilespmem:s18], [sflag:$0x3], $0x80, s29, s21, $0xb8;
	[tilespmem:$0x1D880] =	vst v63  }
0x90: {  	_ =	swait.ge [sflag:s19], $0x3200  }
0x91: {  	[sflag:s19] =	ssyncset.done $0x0  }
0x92: {  	s29 =	simm.s32 $0x100;
	[sflag:s19] =	ssyncadd.s32 $0xFFFFCE00  }
0x93: {  	[tilespmem:s18], [sflag:$0x1] =	stream.indirect.gather [hbm4b:s1+s21], $0x80, s29, s21, $0xb8;
	[tilespmem:$0x1D880] =	vst v63  }
0x94: {  	_ =	swait.ge [sflag:s25], $0x3200  }
0x95: {  	[sflag:s25] =	ssyncset.done $0x0  }
0x96: {  	s29 =	simm.s32 $0x1C80;
	[sflag:s25] =	ssyncadd.s32 $0xFFFFCE00  }
0x97: {  	[spmem:s2] =	stream.indirect.scatter.add.f32 [tilespmem:s23], [sflag:$0x3], $0x80, s29, s21, $0xb8;
	[tilespmem:$0x1D880] =	vst v63  }
0x98: {  	_ =	swait.ge [sflag:s19], $0x3200  }
0x99: {  	[sflag:s19] =	ssyncset.done $0x0  }
0x9a: {  	s30 =	simm.s32 $0x180;
	s29 =	simm.s32 $0x400;
	[sflag:s19] =	ssyncadd.s32 $0xFFFFCE00  }
.LBB2_6:
0x9b: {  	[tilespmem:s23], [sflag:$0x2] =	stream.indirect.gather [hbm4b:s1+s21], $0x80, s30, s21, $0xb8;
	[tilespmem:$0x1D880] =	vst v63  }
0x9c: {  	s30 =	smov.u32 s29  }
0x9d: {  	p2 =	sne.s32 s29, $0x5C00;
	s29 =	sadd.s32 $0x400, s29;
	_ =	swait.ge [sflag:s24], $0x3200  }
0x9e: {  	s30 =	sshra.s32 s30, $0x2;
	[sflag:s24] =	ssyncset.done $0x0  }
0x9f: {  	s31 =	sadd.s32 $0x1C00, s30;
	[sflag:s24] =	ssyncadd.s32 $0xFFFFCE00  }
0xa0: {  	[spmem:s2] =	stream.indirect.scatter.add.f32 [tilespmem:s18], [sflag:$0x3], $0x80, s31, s21, $0xb8;
	[tilespmem:$0x1D880] =	vst v63  }
0xa1: {  	_ =	swait.ge [sflag:s19], $0x3200  }
0xa2: {  	[sflag:s19] =	ssyncset.done $0x0  }
0xa3: {  	s31 =	sadd.s32 $0x100, s30;
	[sflag:s19] =	ssyncadd.s32 $0xFFFFCE00  }
0xa4: {  	[tilespmem:s18], [sflag:$0x1] =	stream.indirect.gather [hbm4b:s1+s21], $0x80, s31, s21, $0xb8;
	[tilespmem:$0x1D880] =	vst v63  }
0xa5: {  	_ =	swait.ge [sflag:s25], $0x3200  }
0xa6: {  	[sflag:s25] =	ssyncset.done $0x0  }
.Ltmp2:
0xa7: {  	s31 =	sadd.s32 $0x1C80, s30;
	[sflag:s25] =	ssyncadd.s32 $0xFFFFCE00;
	(pc) =	sbr.rel @p2 .LBB2_6-.Ltmp2, $4  }
0xa8: {  	[spmem:s2] =	stream.indirect.scatter.add.f32 [tilespmem:s23], [sflag:$0x3], $0x80, s31, s21, $0xb8;
	[tilespmem:$0x1D880] =	vst v63  }
0xa9: {  	_ =	swait.ge [sflag:s19], $0x3200  }
0xaa: {  	[sflag:s19] =	ssyncset.done $0x0  }
0xab: {  	s30 =	sadd.s32 $0x180, s30;
	[sflag:s19] =	ssyncadd.s32 $0xFFFFCE00  }
0xac: {  	[tilespmem:s23], [sflag:$0x2] =	stream.indirect.gather [hbm4b:s1+s21], $0x80, s30, s21, $0xb8;
	[tilespmem:$0x1D880] =	vst v63  }
0xad: {  	_ =	swait.ge [sflag:s24], $0x3200  }
0xae: {  	[sflag:s24] =	ssyncset.done $0x0  }
0xaf: {  	[sflag:s24] =	ssyncadd.s32 $0xFFFFCE00  }
0xb0: {  	[spmem:s2] =	stream.indirect.scatter.add.f32 [tilespmem:s18], [sflag:$0x3], $0x80, s26, s21, $0xb8;
	[tilespmem:$0x1D880] =	vst v63  }
0xb1: {  	_ =	swait.ge [sflag:s19], $0x3200  }
0xb2: {  	[sflag:s19] =	ssyncset.done $0x0  }
0xb3: {  	[sflag:s19] =	ssyncadd.s32 $0xFFFFCE00  }
0xb4: {  	_ =	swait.ge [sflag:s25], $0x3200  }
0xb5: {  	[sflag:s25] =	ssyncset.done $0x0  }
0xb6: {  	[sflag:s25] =	ssyncadd.s32 $0xFFFFCE00  }
0xb7: {  	[spmem:s2] =	stream.indirect.scatter.add.f32 [tilespmem:s23], [sflag:$0x3], $0x80, s28, s21, $0xb8;
	[tilespmem:$0x1D880] =	vst v63  }
0xb8: {  	_ =	swait.ge [sflag:s19], $0x3200  }
0xb9: {  	[sflag:s19] =	ssyncset.done $0x0  }
0xba: {  	s29 =	sshrl.u32 @!p1 s2, $0x3;
	[sflag:s19] =	ssyncadd.s32 $0xFFFFCE00  }
0xbb: {  	s30 =	simm.s32 @!p1 $0x1C03;
	s3 =	sadd.s32 $0x1, s3;
	[bflag:$0x0] =	sbarrier.arrive $0xFFFF  }
0xbc: {  	[hbm:s10], [sflag:s30] =	dma.local @!p1 [spmem:s29], $0x27100  }
0xbd: {  	p2 =	sne.s32 s3, s11;
	s29 =	simm.s32 @!p1 $0x3  }
.Ltmp3:
0xbe: {  	_ =	swait.ge @!p1 [sflag:s29], $0x27100;
	(pc) =	sbr.rel @p2 .LBB2_1-.Ltmp3, $3  }
0xbf: {  	[sflag:s29] =	ssyncset.done @!p1 $0x0  }
0xc0: {  	[sflag:s29] =	ssyncadd.s32 @!p1 $0xFFFD8F00  }
0xc1: {  	[bflag:$0x0] =	sbarrier.arrive $0xFFFF;
	_ =	sdelay $0x1  }
0xc2: {  	_ =	sfence.sel $0x180000  }
0xc3: {  	[bflag:$0x0] =	sbarrier.arrive $0xFFFF  }
0xc4: {  	_ =	strace $0x9000004A  }
0xc5: {  	s0 =	sadd.s32 @!p1 $0x100000, s0;
	[bflag:$0x2] =	sbarrier.arrive $0xFFFF  }
0xc6: {  	[sflag:s0] =	ssyncadd.tile.s32 @!p1 $0x1;
	_ =	shalt  }
.Lfunc_end2:
_tile_overlayer_lowered:
.L_overlay_start_2:
0xc7: {  	(tag) =	ssettag $0x2  }
0xc8: {  	s0 =	rddreg [dreg:$0x0];
	s2 =	stileid.u32  }
0xc9: {  	s1 =	rddreg [dreg:$0x1];
	p0 =	sne.s32 s2, $0x0  }
0xca: {  	s3 =	rddreg [dreg:$0x2];
	[bflag:$0x3] =	sbarrier.arrive $0xFFFF;
	s2 =	simm.s32 @!p0 $0x1C03  }
0xcb: {  	[timem:s3], [sflag:s2] =	dma.local @!p0 [hbm:s0], s1  }
0xcc: {  	s0 =	simm.s32 @!p0 $0x3  }
0xcd: {  	_ =	swait.ge @!p0 [sflag:s0], s1  }
0xce: {  	s1 =	ssub.s32 @!p0 $0x0, s1;
	[sflag:s0] =	ssyncset.done @!p0 $0x0  }
0xcf: {  	[sflag:s0] =	ssyncadd.s32 @!p0 s1  }
0xd0: {  	[bflag:$0x3] =	sbarrier.arrive $0xFFFF  }
0xd1: {  	_ =	shalt  }

</sc_bundles>
